<compile_context>
chip_gen: v7x
topology: tpu7x:2x2x1
jax: 0.10.2.dev20260603
libtpu: 0.0.44.dev20260713+nightly
codegen_flags: <defaults>
</compile_context>

<pallas_src>
import functools

import jax
import jax.numpy as jnp
from jax import lax
from jax.experimental import pallas as pl
from jax.experimental.pallas import tpu as pltpu
from jax.experimental.pallas import tpu_sc as plsc

_VOCAB = 100000
_EMBED = 256
_B = 4096
_L = 200

_NC = 2
_NS = 16
_NW = _NC * _NS

_TOTAL = _B * _L
_PER_W = _TOTAL // _NW
_C = 128
_NCHUNK = _PER_W // _C
_NB = 3
_NG = (_NCHUNK - _NB) // _NB


def _emb_body(tokens_hbm, table_hbm, out_hbm, idx_v, rows_v, gsem, wsem):
    wid = lax.axis_index("s") * _NC + lax.axis_index("c")
    base = wid * _PER_W

    pltpu.sync_copy(tokens_hbm.at[wid], idx_v)

    def start_gather(j, b):
        pltpu.async_copy(table_hbm.at[idx_v.at[j]], rows_v.at[b], gsem.at[b])

    def start_write(j, b):
        pltpu.async_copy(
            rows_v.at[b], out_hbm.at[pl.ds(base + j * _C, _C)], wsem.at[b]
        )

    def wait_gather(b):
        pltpu.make_async_copy(
            table_hbm.at[pl.ds(0, _C)], rows_v.at[b], gsem.at[b]
        ).wait()

    def wait_write(b):
        pltpu.make_async_copy(
            rows_v.at[b], out_hbm.at[pl.ds(base, _C)], wsem.at[b]
        ).wait()

    for b in range(_NB):
        start_gather(b, b)

    def group(g, carry):
        j = g * _NB
        for b in range(_NB):
            wait_gather(b)
            start_write(j + b, b)
        for b in range(_NB):
            wait_write(b)
            start_gather(j + _NB + b, b)
        return carry

    lax.fori_loop(0, _NG, group, 0, unroll=False)

    for j in range(_NG * _NB, _NCHUNK):
        b = j % _NB
        wait_gather(b)
        start_write(j, b)
        nj = j + _NB
        if nj < _NCHUNK:
            wait_write(b)
            start_gather(nj, b)
    for j in range(_NCHUNK - _NB, _NCHUNK):
        wait_write(j % _NB)


@jax.jit
def _emb_lookup(tokens_flat, table):
    run = functools.partial(
        pl.kernel,
        out_type=jax.ShapeDtypeStruct((_TOTAL, _EMBED), jnp.float32),
        mesh=plsc.VectorSubcoreMesh(core_axis_name="c", subcore_axis_name="s"),
        scratch_types=[
            pltpu.VMEM((_NCHUNK, _C), jnp.int32),
            pltpu.VMEM((_NB, _C, _EMBED), jnp.float32),
            pltpu.SemaphoreType.DMA((_NB,)),
            pltpu.SemaphoreType.DMA((_NB,)),
        ],
    )(_emb_body)
    return run(tokens_flat, table)


def kernel(tokens, table):
    tokens_flat = tokens.reshape(_NW, _NCHUNK, _C)
    out = _emb_lookup(tokens_flat, table)
    return out.reshape(_B, _L, _EMBED)

# --- scband reference (transcript-rebuilt; emitter-appended) ---
"""Pipeline reference for scband-upstream-expert-54039278518627 (READ-ONLY COPY).

The authoritative reference and input builder live on the scoring server;
editing this copy changes nothing except your own understanding.
"""

import jax, jax.numpy as jnp
import numpy as np

VOCAB = 100000  # phoneme vocab size (len(token_list) + 2), checkpoint-dependent; pinned for reproducibility
EMBED = 256     # default upstream expert config embedding_size
B = 4096
L = 200


def setup_inputs(seed: int = 0) -> dict:
    key = jax.random.key(seed)
    k1, k2 = jax.random.split(key)
    # tokens is conceptually a list of variable-length 1D id tensors; pad_sequence on an
    # already-rectangular [B, L] batch is the identity, so we model the padded batch directly.
    tokens = jax.random.randint(k1, (B, L), 0, VOCAB, dtype=jnp.int32)
    # nn.Embedding weight with padding_idx=0 -> row 0 is all zeros
    table = jax.random.normal(k2, (VOCAB, EMBED), dtype=jnp.float32)
    table = table.at[0].set(0.0)
    return {"tokens": tokens, "table": table}


def reference(tokens, table):
    # UpstreamExpert.forward: pad_sequence (identity here) -> nn.Embedding lookup
    # returns {'hidden_states': output_values}; we return the array itself.
    hidden_states = jnp.take(table, tokens, axis=0)
    return hidden_states

if __name__ == "__main__":
    import jax
    _d = setup_inputs()
    print(jax.jit(kernel)(*tuple(_d.values())))

</pallas_src>

<mosaic_0001>
#map = affine_map<(d0, d1) -> (0, 0, 0)>
#map1 = affine_map<(d0, d1) -> (0, 0)>
module attributes {stable_mosaic.version = 14 : i64} {
  func.func @_emb_body(%arg0: i32, %arg1: i32, %arg2: memref<32x200x128xi32, #tpu.memory_space<hbm>>, %arg3: memref<100000x256xf32, #tpu.memory_space<hbm>>, %arg4: memref<819200x256xf32, #tpu.memory_space<hbm>>, %arg5: memref<200x128xi32, #tpu.memory_space<vmem>>, %arg6: memref<3x128x256xf32, #tpu.memory_space<vmem>>, %arg7: memref<3x!tpu.dma_semaphore, #tpu.memory_space<semaphore_mem>>, %arg8: memref<3x!tpu.dma_semaphore, #tpu.memory_space<semaphore_mem>>) attributes {dimension_semantics = [#tpu.dimension_semantics<core_parallel>, #tpu.dimension_semantics<subcore_parallel>], iteration_bounds = array<i64: 2, 16>, scalar_prefetch = 0 : i64, scratch_operands = 4 : i64, tpu.core_type = #tpu.core_type<sc_vector_subcore>, window_params = [{transform_indices = #map}, {transform_indices = #map1}, {transform_indices = #map1}]} {
    %mul3A = arith.constant 2 : i32
    %mul3A_0 = arith.muli %arg1, %mul3A : i32
    %add3A = arith.addi %mul3A_0, %arg0 : i32
    %mul3A_1 = arith.constant 25600 : i32
    %mul3A_2 = arith.muli %add3A, %mul3A_1 : i32
    "tpu.region"() ({
      %run_scoped3A = tpu.sem_alloc : memref<!tpu.dma_semaphore, #tpu.memory_space<semaphore_mem>>
      %dma_start3A_341 = arith.constant 0 : i32
      %dma_start3A_342 = arith.constant 0 : i32
      %dma_start3A_343 = tpu.memref_slice %arg2[%add3A, %dma_start3A_341, %dma_start3A_342] : memref<32x200x128xi32, #tpu.memory_space<hbm>> -> memref<1x200x128xi32, #tpu.memory_space<hbm>>
      %dma_start3A_344 = tpu.memref_squeeze %dma_start3A_343 : memref<1x200x128xi32, #tpu.memory_space<hbm>> -> memref<200x128xi32, #tpu.memory_space<hbm>>
      %dma_start3A_345 = arith.constant 0 : i32
      %dma_start3A_346 = arith.constant 0 : i32
      %dma_start3A_347 = tpu.memref_slice %arg2[%add3A, %dma_start3A_345, %dma_start3A_346] : memref<32x200x128xi32, #tpu.memory_space<hbm>> -> memref<1x200x128xi32, #tpu.memory_space<hbm>>
      %dma_start3A_348 = tpu.memref_squeeze %dma_start3A_347 : memref<1x200x128xi32, #tpu.memory_space<hbm>> -> memref<200x128xi32, #tpu.memory_space<hbm>>
      tpu.enqueue_dma source(%dma_start3A_348 : memref<200x128xi32, #tpu.memory_space<hbm>>) target(%arg5 : memref<200x128xi32, #tpu.memory_space<vmem>>) target_semaphore(%run_scoped3A : memref<!tpu.dma_semaphore, #tpu.memory_space<semaphore_mem>>)
      %dma_wait3A_349 = arith.constant 0 : i32
      %dma_wait3A_350 = arith.constant 0 : i32
      %dma_wait3A_351 = tpu.memref_slice %arg2[%add3A, %dma_wait3A_349, %dma_wait3A_350] : memref<32x200x128xi32, #tpu.memory_space<hbm>> -> memref<1x200x128xi32, #tpu.memory_space<hbm>>
      %dma_wait3A_352 = tpu.memref_squeeze %dma_wait3A_351 : memref<1x200x128xi32, #tpu.memory_space<hbm>> -> memref<200x128xi32, #tpu.memory_space<hbm>>
      %dma_wait3A_353 = arith.constant 0 : i32
      %dma_wait3A_354 = arith.constant 0 : i32
      %dma_wait3A_355 = tpu.memref_slice %arg2[%add3A, %dma_wait3A_353, %dma_wait3A_354] : memref<32x200x128xi32, #tpu.memory_space<hbm>> -> memref<1x200x128xi32, #tpu.memory_space<hbm>>
      %dma_wait3A_356 = tpu.memref_squeeze %dma_wait3A_355 : memref<1x200x128xi32, #tpu.memory_space<hbm>> -> memref<200x128xi32, #tpu.memory_space<hbm>>
      tpu.wait_dma2 semaphore(%run_scoped3A : memref<!tpu.dma_semaphore, #tpu.memory_space<semaphore_mem>>) src(%dma_wait3A_356 : memref<200x128xi32, #tpu.memory_space<hbm>>) dst(%arg5 : memref<200x128xi32, #tpu.memory_space<vmem>>)
      tpu.yield
    }) : () -> ()
    %dma_start3A = arith.constant 0 : i32
    %dma_start3A_3 = arith.constant 0 : i32
    %dma_start3A_4 = arith.constant 0 : i32
    %dma_start3A_5 = arith.constant 0 : i32
    %dma_start3A_6 = arith.constant 0 : i32
    %dma_start3A_7 = tpu.memref_slice %arg6[%dma_start3A_3, %dma_start3A_5, %dma_start3A_6] : memref<3x128x256xf32, #tpu.memory_space<vmem>> -> memref<1x128x256xf32, #tpu.memory_space<vmem>>
    %dma_start3A_8 = tpu.memref_squeeze %dma_start3A_7 : memref<1x128x256xf32, #tpu.memory_space<vmem>> -> memref<128x256xf32, #tpu.memory_space<vmem>>
    %dma_start3A_9 = arith.constant 0 : i32
    %dma_start3A_10 = tpu.memref_slice %arg5[%dma_start3A, %dma_start3A_9] : memref<200x128xi32, #tpu.memory_space<vmem>> -> memref<1x128xi32, #tpu.memory_space<vmem>>
    %dma_start3A_11 = tpu.memref_squeeze %dma_start3A_10 : memref<1x128xi32, #tpu.memory_space<vmem>> -> memref<128xi32, #tpu.memory_space<vmem>>
    %dma_start3A_12 = arith.constant 0 : i32
    %dma_start3A_13 = arith.constant 0 : i32
    %dma_start3A_14 = tpu.memref_slice %arg3[%dma_start3A_12, %dma_start3A_13] : memref<100000x256xf32, #tpu.memory_space<hbm>> -> memref<100000x256xf32, #tpu.memory_space<hbm>>
    %dma_start3A_15 = tpu.memref_slice %arg7[%dma_start3A_4] : memref<3x!tpu.dma_semaphore, #tpu.memory_space<semaphore_mem>> -> memref<1x!tpu.dma_semaphore, #tpu.memory_space<semaphore_mem>>
    %dma_start3A_16 = tpu.memref_squeeze %dma_start3A_15 : memref<1x!tpu.dma_semaphore, #tpu.memory_space<semaphore_mem>> -> memref<!tpu.dma_semaphore, #tpu.memory_space<semaphore_mem>>
    tpu.enqueue_indirect_dma source(%dma_start3A_14 : memref<100000x256xf32, #tpu.memory_space<hbm>>) target(%dma_start3A_8 : memref<128x256xf32, #tpu.memory_space<vmem>>) offsets(%dma_start3A_11 : memref<128xi32, #tpu.memory_space<vmem>>) semaphore(%dma_start3A_16 : memref<!tpu.dma_semaphore, #tpu.memory_space<semaphore_mem>>)
    %dma_start3A_17 = arith.constant 1 : i32
    %dma_start3A_18 = arith.constant 1 : i32
    %dma_start3A_19 = arith.constant 1 : i32
    %dma_start3A_20 = arith.constant 0 : i32
    %dma_start3A_21 = arith.constant 0 : i32
    %dma_start3A_22 = tpu.memref_slice %arg6[%dma_start3A_18, %dma_start3A_20, %dma_start3A_21] : memref<3x128x256xf32, #tpu.memory_space<vmem>> -> memref<1x128x256xf32, #tpu.memory_space<vmem>>
    %dma_start3A_23 = tpu.memref_squeeze %dma_start3A_22 : memref<1x128x256xf32, #tpu.memory_space<vmem>> -> memref<128x256xf32, #tpu.memory_space<vmem>>
    %dma_start3A_24 = arith.constant 0 : i32
    %dma_start3A_25 = tpu.memref_slice %arg5[%dma_start3A_17, %dma_start3A_24] : memref<200x128xi32, #tpu.memory_space<vmem>> -> memref<1x128xi32, #tpu.memory_space<vmem>>
    %dma_start3A_26 = tpu.memref_squeeze %dma_start3A_25 : memref<1x128xi32, #tpu.memory_space<vmem>> -> memref<128xi32, #tpu.memory_space<vmem>>
    %dma_start3A_27 = arith.constant 0 : i32
    %dma_start3A_28 = arith.constant 0 : i32
    %dma_start3A_29 = tpu.memref_slice %arg3[%dma_start3A_27, %dma_start3A_28] : memref<100000x256xf32, #tpu.memory_space<hbm>> -> memref<100000x256xf32, #tpu.memory_space<hbm>>
    %dma_start3A_30 = tpu.memref_slice %arg7[%dma_start3A_19] : memref<3x!tpu.dma_semaphore, #tpu.memory_space<semaphore_mem>> -> memref<1x!tpu.dma_semaphore, #tpu.memory_space<semaphore_mem>>
    %dma_start3A_31 = tpu.memref_squeeze %dma_start3A_30 : memref<1x!tpu.dma_semaphore, #tpu.memory_space<semaphore_mem>> -> memref<!tpu.dma_semaphore, #tpu.memory_space<semaphore_mem>>
    tpu.enqueue_indirect_dma source(%dma_start3A_29 : memref<100000x256xf32, #tpu.memory_space<hbm>>) target(%dma_start3A_23 : memref<128x256xf32, #tpu.memory_space<vmem>>) offsets(%dma_start3A_26 : memref<128xi32, #tpu.memory_space<vmem>>) semaphore(%dma_start3A_31 : memref<!tpu.dma_semaphore, #tpu.memory_space<semaphore_mem>>)
    %dma_start3A_32 = arith.constant 2 : i32
    %dma_start3A_33 = arith.constant 2 : i32
    %dma_start3A_34 = arith.constant 2 : i32
    %dma_start3A_35 = arith.constant 0 : i32
    %dma_start3A_36 = arith.constant 0 : i32
    %dma_start3A_37 = tpu.memref_slice %arg6[%dma_start3A_33, %dma_start3A_35, %dma_start3A_36] : memref<3x128x256xf32, #tpu.memory_space<vmem>> -> memref<1x128x256xf32, #tpu.memory_space<vmem>>
    %dma_start3A_38 = tpu.memref_squeeze %dma_start3A_37 : memref<1x128x256xf32, #tpu.memory_space<vmem>> -> memref<128x256xf32, #tpu.memory_space<vmem>>
    %dma_start3A_39 = arith.constant 0 : i32
    %dma_start3A_40 = tpu.memref_slice %arg5[%dma_start3A_32, %dma_start3A_39] : memref<200x128xi32, #tpu.memory_space<vmem>> -> memref<1x128xi32, #tpu.memory_space<vmem>>
    %dma_start3A_41 = tpu.memref_squeeze %dma_start3A_40 : memref<1x128xi32, #tpu.memory_space<vmem>> -> memref<128xi32, #tpu.memory_space<vmem>>
    %dma_start3A_42 = arith.constant 0 : i32
    %dma_start3A_43 = arith.constant 0 : i32
    %dma_start3A_44 = tpu.memref_slice %arg3[%dma_start3A_42, %dma_start3A_43] : memref<100000x256xf32, #tpu.memory_space<hbm>> -> memref<100000x256xf32, #tpu.memory_space<hbm>>
    %dma_start3A_45 = tpu.memref_slice %arg7[%dma_start3A_34] : memref<3x!tpu.dma_semaphore, #tpu.memory_space<semaphore_mem>> -> memref<1x!tpu.dma_semaphore, #tpu.memory_space<semaphore_mem>>
    %dma_start3A_46 = tpu.memref_squeeze %dma_start3A_45 : memref<1x!tpu.dma_semaphore, #tpu.memory_space<semaphore_mem>> -> memref<!tpu.dma_semaphore, #tpu.memory_space<semaphore_mem>>
    tpu.enqueue_indirect_dma source(%dma_start3A_44 : memref<100000x256xf32, #tpu.memory_space<hbm>>) target(%dma_start3A_38 : memref<128x256xf32, #tpu.memory_space<vmem>>) offsets(%dma_start3A_41 : memref<128xi32, #tpu.memory_space<vmem>>) semaphore(%dma_start3A_46 : memref<!tpu.dma_semaphore, #tpu.memory_space<semaphore_mem>>)
    %scan3A = arith.constant 0 : i32
    %scan3A_47 = arith.constant 0 : i32
    %scan3A_48 = arith.constant 65 : i32
    %scan3A_49 = arith.addi %scan3A_47, %scan3A_48 : i32
    %scan3A_50 = arith.constant 1 : i32
    scf.for %scan3A_341 = %scan3A_47 to %scan3A_49 step %scan3A_50  : i32 {
      %mul3A_342 = arith.constant 3 : i32
      %mul3A_343 = arith.muli %scan3A_341, %mul3A_342 : i32
      %dma_wait3A_344 = arith.constant 0 : i32
      %dma_wait3A_345 = arith.constant 0 : i32
      %dma_wait3A_346 = arith.constant 0 : i32
      %dma_wait3A_347 = arith.constant 0 : i32
      %dma_wait3A_348 = tpu.memref_slice %arg6[%dma_wait3A_344, %dma_wait3A_346, %dma_wait3A_347] : memref<3x128x256xf32, #tpu.memory_space<vmem>> -> memref<1x128x256xf32, #tpu.memory_space<vmem>>
      %dma_wait3A_349 = tpu.memref_squeeze %dma_wait3A_348 : memref<1x128x256xf32, #tpu.memory_space<vmem>> -> memref<128x256xf32, #tpu.memory_space<vmem>>
      %dma_wait3A_350 = arith.constant 0 : i32
      %dma_wait3A_351 = arith.constant 0 : i32
      %dma_wait3A_352 = tpu.memref_slice %arg3[%dma_wait3A_350, %dma_wait3A_351] : memref<100000x256xf32, #tpu.memory_space<hbm>> -> memref<128x256xf32, #tpu.memory_space<hbm>>
      %dma_wait3A_353 = tpu.memref_slice %arg7[%dma_wait3A_345] : memref<3x!tpu.dma_semaphore, #tpu.memory_space<semaphore_mem>> -> memref<1x!tpu.dma_semaphore, #tpu.memory_space<semaphore_mem>>
      %dma_wait3A_354 = tpu.memref_squeeze %dma_wait3A_353 : memref<1x!tpu.dma_semaphore, #tpu.memory_space<semaphore_mem>> -> memref<!tpu.dma_semaphore, #tpu.memory_space<semaphore_mem>>
      %dma_wait3A_355 = arith.constant 0 : i32
      %dma_wait3A_356 = arith.constant 0 : i32
      %dma_wait3A_357 = tpu.memref_slice %arg6[%dma_wait3A_344, %dma_wait3A_355, %dma_wait3A_356] : memref<3x128x256xf32, #tpu.memory_space<vmem>> -> memref<1x128x256xf32, #tpu.memory_space<vmem>>
      %dma_wait3A_358 = tpu.memref_squeeze %dma_wait3A_357 : memref<1x128x256xf32, #tpu.memory_space<vmem>> -> memref<128x256xf32, #tpu.memory_space<vmem>>
      %dma_wait3A_359 = arith.constant 0 : i32
      %dma_wait3A_360 = arith.constant 0 : i32
      %dma_wait3A_361 = tpu.memref_slice %arg3[%dma_wait3A_359, %dma_wait3A_360] : memref<100000x256xf32, #tpu.memory_space<hbm>> -> memref<128x256xf32, #tpu.memory_space<hbm>>
      tpu.wait_dma2 semaphore(%dma_wait3A_354 : memref<!tpu.dma_semaphore, #tpu.memory_space<semaphore_mem>>) src(%dma_wait3A_361 : memref<128x256xf32, #tpu.memory_space<hbm>>) dst(%dma_wait3A_358 : memref<128x256xf32, #tpu.memory_space<vmem>>)
      %add3A_362 = arith.constant 0 : i32
      %add3A_363 = arith.addi %mul3A_343, %add3A_362 : i32
      %mul3A_364 = arith.constant 128 : i32
      %mul3A_365 = arith.muli %add3A_363, %mul3A_364 : i32
      %add3A_366 = arith.addi %mul3A_2, %mul3A_365 : i32
      %dma_start3A_367 = arith.constant 0 : i32
      %dma_start3A_368 = arith.constant 0 : i32
      %dma_start3A_369 = arith.constant 0 : i32
      %dma_start3A_370 = arith.constant 0 : i32
      %dma_start3A_371 = tpu.memref_slice %arg6[%dma_start3A_367, %dma_start3A_369, %dma_start3A_370] : memref<3x128x256xf32, #tpu.memory_space<vmem>> -> memref<1x128x256xf32, #tpu.memory_space<vmem>>
      %dma_start3A_372 = tpu.memref_squeeze %dma_start3A_371 : memref<1x128x256xf32, #tpu.memory_space<vmem>> -> memref<128x256xf32, #tpu.memory_space<vmem>>
      %dma_start3A_373 = arith.constant 0 : i32
      %dma_start3A_374 = tpu.memref_slice %arg4[%add3A_366, %dma_start3A_373] : memref<819200x256xf32, #tpu.memory_space<hbm>> -> memref<128x256xf32, #tpu.memory_space<hbm>>
      %dma_start3A_375 = tpu.memref_slice %arg8[%dma_start3A_368] : memref<3x!tpu.dma_semaphore, #tpu.memory_space<semaphore_mem>> -> memref<1x!tpu.dma_semaphore, #tpu.memory_space<semaphore_mem>>
      %dma_start3A_376 = tpu.memref_squeeze %dma_start3A_375 : memref<1x!tpu.dma_semaphore, #tpu.memory_space<semaphore_mem>> -> memref<!tpu.dma_semaphore, #tpu.memory_space<semaphore_mem>>
      %dma_start3A_377 = arith.constant 0 : i32
      %dma_start3A_378 = tpu.memref_slice %arg4[%add3A_366, %dma_start3A_377] : memref<819200x256xf32, #tpu.memory_space<hbm>> -> memref<128x256xf32, #tpu.memory_space<hbm>>
      %dma_start3A_379 = arith.constant 0 : i32
      %dma_start3A_380 = arith.constant 0 : i32
      %dma_start3A_381 = tpu.memref_slice %arg6[%dma_start3A_367, %dma_start3A_379, %dma_start3A_380] : memref<3x128x256xf32, #tpu.memory_space<vmem>> -> memref<1x128x256xf32, #tpu.memory_space<vmem>>
      %dma_start3A_382 = tpu.memref_squeeze %dma_start3A_381 : memref<1x128x256xf32, #tpu.memory_space<vmem>> -> memref<128x256xf32, #tpu.memory_space<vmem>>
      tpu.enqueue_dma source(%dma_start3A_382 : memref<128x256xf32, #tpu.memory_space<vmem>>) target(%dma_start3A_378 : memref<128x256xf32, #tpu.memory_space<hbm>>) target_semaphore(%dma_start3A_376 : memref<!tpu.dma_semaphore, #tpu.memory_space<semaphore_mem>>)
      %dma_wait3A_383 = arith.constant 1 : i32
      %dma_wait3A_384 = arith.constant 1 : i32
      %dma_wait3A_385 = arith.constant 0 : i32
      %dma_wait3A_386 = arith.constant 0 : i32
      %dma_wait3A_387 = tpu.memref_slice %arg6[%dma_wait3A_383, %dma_wait3A_385, %dma_wait3A_386] : memref<3x128x256xf32, #tpu.memory_space<vmem>> -> memref<1x128x256xf32, #tpu.memory_space<vmem>>
      %dma_wait3A_388 = tpu.memref_squeeze %dma_wait3A_387 : memref<1x128x256xf32, #tpu.memory_space<vmem>> -> memref<128x256xf32, #tpu.memory_space<vmem>>
      %dma_wait3A_389 = arith.constant 0 : i32
      %dma_wait3A_390 = arith.constant 0 : i32
      %dma_wait3A_391 = tpu.memref_slice %arg3[%dma_wait3A_389, %dma_wait3A_390] : memref<100000x256xf32, #tpu.memory_space<hbm>> -> memref<128x256xf32, #tpu.memory_space<hbm>>
      %dma_wait3A_392 = tpu.memref_slice %arg7[%dma_wait3A_384] : memref<3x!tpu.dma_semaphore, #tpu.memory_space<semaphore_mem>> -> memref<1x!tpu.dma_semaphore, #tpu.memory_space<semaphore_mem>>
      %dma_wait3A_393 = tpu.memref_squeeze %dma_wait3A_392 : memref<1x!tpu.dma_semaphore, #tpu.memory_space<semaphore_mem>> -> memref<!tpu.dma_semaphore, #tpu.memory_space<semaphore_mem>>
      %dma_wait3A_394 = arith.constant 0 : i32
      %dma_wait3A_395 = arith.constant 0 : i32
      %dma_wait3A_396 = tpu.memref_slice %arg6[%dma_wait3A_383, %dma_wait3A_394, %dma_wait3A_395] : memref<3x128x256xf32, #tpu.memory_space<vmem>> -> memref<1x128x256xf32, #tpu.memory_space<vmem>>
      %dma_wait3A_397 = tpu.memref_squeeze %dma_wait3A_396 : memref<1x128x256xf32, #tpu.memory_space<vmem>> -> memref<128x256xf32, #tpu.memory_space<vmem>>
      %dma_wait3A_398 = arith.constant 0 : i32
      %dma_wait3A_399 = arith.constant 0 : i32
      %dma_wait3A_400 = tpu.memref_slice %arg3[%dma_wait3A_398, %dma_wait3A_399] : memref<100000x256xf32, #tpu.memory_space<hbm>> -> memref<128x256xf32, #tpu.memory_space<hbm>>
      tpu.wait_dma2 semaphore(%dma_wait3A_393 : memref<!tpu.dma_semaphore, #tpu.memory_space<semaphore_mem>>) src(%dma_wait3A_400 : memref<128x256xf32, #tpu.memory_space<hbm>>) dst(%dma_wait3A_397 : memref<128x256xf32, #tpu.memory_space<vmem>>)
      %add3A_401 = arith.constant 1 : i32
      %add3A_402 = arith.addi %mul3A_343, %add3A_401 : i32
      %mul3A_403 = arith.constant 128 : i32
      %mul3A_404 = arith.muli %add3A_402, %mul3A_403 : i32
      %add3A_405 = arith.addi %mul3A_2, %mul3A_404 : i32
      %dma_start3A_406 = arith.constant 1 : i32
      %dma_start3A_407 = arith.constant 1 : i32
      %dma_start3A_408 = arith.constant 0 : i32
      %dma_start3A_409 = arith.constant 0 : i32
      %dma_start3A_410 = tpu.memref_slice %arg6[%dma_start3A_406, %dma_start3A_408, %dma_start3A_409] : memref<3x128x256xf32, #tpu.memory_space<vmem>> -> memref<1x128x256xf32, #tpu.memory_space<vmem>>
      %dma_start3A_411 = tpu.memref_squeeze %dma_start3A_410 : memref<1x128x256xf32, #tpu.memory_space<vmem>> -> memref<128x256xf32, #tpu.memory_space<vmem>>
      %dma_start3A_412 = arith.constant 0 : i32
      %dma_start3A_413 = tpu.memref_slice %arg4[%add3A_405, %dma_start3A_412] : memref<819200x256xf32, #tpu.memory_space<hbm>> -> memref<128x256xf32, #tpu.memory_space<hbm>>
      %dma_start3A_414 = tpu.memref_slice %arg8[%dma_start3A_407] : memref<3x!tpu.dma_semaphore, #tpu.memory_space<semaphore_mem>> -> memref<1x!tpu.dma_semaphore, #tpu.memory_space<semaphore_mem>>
      %dma_start3A_415 = tpu.memref_squeeze %dma_start3A_414 : memref<1x!tpu.dma_semaphore, #tpu.memory_space<semaphore_mem>> -> memref<!tpu.dma_semaphore, #tpu.memory_space<semaphore_mem>>
      %dma_start3A_416 = arith.constant 0 : i32
      %dma_start3A_417 = tpu.memref_slice %arg4[%add3A_405, %dma_start3A_416] : memref<819200x256xf32, #tpu.memory_space<hbm>> -> memref<128x256xf32, #tpu.memory_space<hbm>>
      %dma_start3A_418 = arith.constant 0 : i32
      %dma_start3A_419 = arith.constant 0 : i32
      %dma_start3A_420 = tpu.memref_slice %arg6[%dma_start3A_406, %dma_start3A_418, %dma_start3A_419] : memref<3x128x256xf32, #tpu.memory_space<vmem>> -> memref<1x128x256xf32, #tpu.memory_space<vmem>>
      %dma_start3A_421 = tpu.memref_squeeze %dma_start3A_420 : memref<1x128x256xf32, #tpu.memory_space<vmem>> -> memref<128x256xf32, #tpu.memory_space<vmem>>
      tpu.enqueue_dma source(%dma_start3A_421 : memref<128x256xf32, #tpu.memory_space<vmem>>) target(%dma_start3A_417 : memref<128x256xf32, #tpu.memory_space<hbm>>) target_semaphore(%dma_start3A_415 : memref<!tpu.dma_semaphore, #tpu.memory_space<semaphore_mem>>)
      %dma_wait3A_422 = arith.constant 2 : i32
      %dma_wait3A_423 = arith.constant 2 : i32
      %dma_wait3A_424 = arith.constant 0 : i32
      %dma_wait3A_425 = arith.constant 0 : i32
      %dma_wait3A_426 = tpu.memref_slice %arg6[%dma_wait3A_422, %dma_wait3A_424, %dma_wait3A_425] : memref<3x128x256xf32, #tpu.memory_space<vmem>> -> memref<1x128x256xf32, #tpu.memory_space<vmem>>
      %dma_wait3A_427 = tpu.memref_squeeze %dma_wait3A_426 : memref<1x128x256xf32, #tpu.memory_space<vmem>> -> memref<128x256xf32, #tpu.memory_space<vmem>>
      %dma_wait3A_428 = arith.constant 0 : i32
      %dma_wait3A_429 = arith.constant 0 : i32
      %dma_wait3A_430 = tpu.memref_slice %arg3[%dma_wait3A_428, %dma_wait3A_429] : memref<100000x256xf32, #tpu.memory_space<hbm>> -> memref<128x256xf32, #tpu.memory_space<hbm>>
      %dma_wait3A_431 = tpu.memref_slice %arg7[%dma_wait3A_423] : memref<3x!tpu.dma_semaphore, #tpu.memory_space<semaphore_mem>> -> memref<1x!tpu.dma_semaphore, #tpu.memory_space<semaphore_mem>>
      %dma_wait3A_432 = tpu.memref_squeeze %dma_wait3A_431 : memref<1x!tpu.dma_semaphore, #tpu.memory_space<semaphore_mem>> -> memref<!tpu.dma_semaphore, #tpu.memory_space<semaphore_mem>>
      %dma_wait3A_433 = arith.constant 0 : i32
      %dma_wait3A_434 = arith.constant 0 : i32
      %dma_wait3A_435 = tpu.memref_slice %arg6[%dma_wait3A_422, %dma_wait3A_433, %dma_wait3A_434] : memref<3x128x256xf32, #tpu.memory_space<vmem>> -> memref<1x128x256xf32, #tpu.memory_space<vmem>>
      %dma_wait3A_436 = tpu.memref_squeeze %dma_wait3A_435 : memref<1x128x256xf32, #tpu.memory_space<vmem>> -> memref<128x256xf32, #tpu.memory_space<vmem>>
      %dma_wait3A_437 = arith.constant 0 : i32
      %dma_wait3A_438 = arith.constant 0 : i32
      %dma_wait3A_439 = tpu.memref_slice %arg3[%dma_wait3A_437, %dma_wait3A_438] : memref<100000x256xf32, #tpu.memory_space<hbm>> -> memref<128x256xf32, #tpu.memory_space<hbm>>
      tpu.wait_dma2 semaphore(%dma_wait3A_432 : memref<!tpu.dma_semaphore, #tpu.memory_space<semaphore_mem>>) src(%dma_wait3A_439 : memref<128x256xf32, #tpu.memory_space<hbm>>) dst(%dma_wait3A_436 : memref<128x256xf32, #tpu.memory_space<vmem>>)
      %add3A_440 = arith.constant 2 : i32
      %add3A_441 = arith.addi %mul3A_343, %add3A_440 : i32
      %mul3A_442 = arith.constant 128 : i32
      %mul3A_443 = arith.muli %add3A_441, %mul3A_442 : i32
      %add3A_444 = arith.addi %mul3A_2, %mul3A_443 : i32
      %dma_start3A_445 = arith.constant 2 : i32
      %dma_start3A_446 = arith.constant 2 : i32
      %dma_start3A_447 = arith.constant 0 : i32
      %dma_start3A_448 = arith.constant 0 : i32
      %dma_start3A_449 = tpu.memref_slice %arg6[%dma_start3A_445, %dma_start3A_447, %dma_start3A_448] : memref<3x128x256xf32, #tpu.memory_space<vmem>> -> memref<1x128x256xf32, #tpu.memory_space<vmem>>
      %dma_start3A_450 = tpu.memref_squeeze %dma_start3A_449 : memref<1x128x256xf32, #tpu.memory_space<vmem>> -> memref<128x256xf32, #tpu.memory_space<vmem>>
      %dma_start3A_451 = arith.constant 0 : i32
      %dma_start3A_452 = tpu.memref_slice %arg4[%add3A_444, %dma_start3A_451] : memref<819200x256xf32, #tpu.memory_space<hbm>> -> memref<128x256xf32, #tpu.memory_space<hbm>>
      %dma_start3A_453 = tpu.memref_slice %arg8[%dma_start3A_446] : memref<3x!tpu.dma_semaphore, #tpu.memory_space<semaphore_mem>> -> memref<1x!tpu.dma_semaphore, #tpu.memory_space<semaphore_mem>>
      %dma_start3A_454 = tpu.memref_squeeze %dma_start3A_453 : memref<1x!tpu.dma_semaphore, #tpu.memory_space<semaphore_mem>> -> memref<!tpu.dma_semaphore, #tpu.memory_space<semaphore_mem>>
      %dma_start3A_455 = arith.constant 0 : i32
      %dma_start3A_456 = tpu.memref_slice %arg4[%add3A_444, %dma_start3A_455] : memref<819200x256xf32, #tpu.memory_space<hbm>> -> memref<128x256xf32, #tpu.memory_space<hbm>>
      %dma_start3A_457 = arith.constant 0 : i32
      %dma_start3A_458 = arith.constant 0 : i32
      %dma_start3A_459 = tpu.memref_slice %arg6[%dma_start3A_445, %dma_start3A_457, %dma_start3A_458] : memref<3x128x256xf32, #tpu.memory_space<vmem>> -> memref<1x128x256xf32, #tpu.memory_space<vmem>>
      %dma_start3A_460 = tpu.memref_squeeze %dma_start3A_459 : memref<1x128x256xf32, #tpu.memory_space<vmem>> -> memref<128x256xf32, #tpu.memory_space<vmem>>
      tpu.enqueue_dma source(%dma_start3A_460 : memref<128x256xf32, #tpu.memory_space<vmem>>) target(%dma_start3A_456 : memref<128x256xf32, #tpu.memory_space<hbm>>) target_semaphore(%dma_start3A_454 : memref<!tpu.dma_semaphore, #tpu.memory_space<semaphore_mem>>)
      %dma_wait3A_461 = arith.constant 0 : i32
      %dma_wait3A_462 = arith.constant 0 : i32
      %dma_wait3A_463 = arith.constant 0 : i32
      %dma_wait3A_464 = arith.constant 0 : i32
      %dma_wait3A_465 = tpu.memref_slice %arg6[%dma_wait3A_461, %dma_wait3A_463, %dma_wait3A_464] : memref<3x128x256xf32, #tpu.memory_space<vmem>> -> memref<1x128x256xf32, #tpu.memory_space<vmem>>
      %dma_wait3A_466 = tpu.memref_squeeze %dma_wait3A_465 : memref<1x128x256xf32, #tpu.memory_space<vmem>> -> memref<128x256xf32, #tpu.memory_space<vmem>>
      %dma_wait3A_467 = arith.constant 0 : i32
      %dma_wait3A_468 = tpu.memref_slice %arg4[%mul3A_2, %dma_wait3A_467] : memref<819200x256xf32, #tpu.memory_space<hbm>> -> memref<128x256xf32, #tpu.memory_space<hbm>>
      %dma_wait3A_469 = tpu.memref_slice %arg8[%dma_wait3A_462] : memref<3x!tpu.dma_semaphore, #tpu.memory_space<semaphore_mem>> -> memref<1x!tpu.dma_semaphore, #tpu.memory_space<semaphore_mem>>
      %dma_wait3A_470 = tpu.memref_squeeze %dma_wait3A_469 : memref<1x!tpu.dma_semaphore, #tpu.memory_space<semaphore_mem>> -> memref<!tpu.dma_semaphore, #tpu.memory_space<semaphore_mem>>
      %dma_wait3A_471 = arith.constant 0 : i32
      %dma_wait3A_472 = tpu.memref_slice %arg4[%mul3A_2, %dma_wait3A_471] : memref<819200x256xf32, #tpu.memory_space<hbm>> -> memref<128x256xf32, #tpu.memory_space<hbm>>
      %dma_wait3A_473 = arith.constant 0 : i32
      %dma_wait3A_474 = arith.constant 0 : i32
      %dma_wait3A_475 = tpu.memref_slice %arg6[%dma_wait3A_461, %dma_wait3A_473, %dma_wait3A_474] : memref<3x128x256xf32, #tpu.memory_space<vmem>> -> memref<1x128x256xf32, #tpu.memory_space<vmem>>
      %dma_wait3A_476 = tpu.memref_squeeze %dma_wait3A_475 : memref<1x128x256xf32, #tpu.memory_space<vmem>> -> memref<128x256xf32, #tpu.memory_space<vmem>>
      tpu.wait_dma2 semaphore(%dma_wait3A_470 : memref<!tpu.dma_semaphore, #tpu.memory_space<semaphore_mem>>) src(%dma_wait3A_476 : memref<128x256xf32, #tpu.memory_space<vmem>>) dst(%dma_wait3A_472 : memref<128x256xf32, #tpu.memory_space<hbm>>)
      %add3A_477 = arith.constant 3 : i32
      %add3A_478 = arith.addi %mul3A_343, %add3A_477 : i32
      %add3A_479 = arith.constant 0 : i32
      %add3A_480 = arith.addi %add3A_478, %add3A_479 : i32
      %dma_start3A_481 = arith.constant 0 : i32
      %dma_start3A_482 = arith.constant 0 : i32
      %dma_start3A_483 = arith.constant 0 : i32
      %dma_start3A_484 = arith.constant 0 : i32
      %dma_start3A_485 = tpu.memref_slice %arg6[%dma_start3A_481, %dma_start3A_483, %dma_start3A_484] : memref<3x128x256xf32, #tpu.memory_space<vmem>> -> memref<1x128x256xf32, #tpu.memory_space<vmem>>
      %dma_start3A_486 = tpu.memref_squeeze %dma_start3A_485 : memref<1x128x256xf32, #tpu.memory_space<vmem>> -> memref<128x256xf32, #tpu.memory_space<vmem>>
      %dma_start3A_487 = arith.constant 0 : i32
      %dma_start3A_488 = tpu.memref_slice %arg5[%add3A_480, %dma_start3A_487] : memref<200x128xi32, #tpu.memory_space<vmem>> -> memref<1x128xi32, #tpu.memory_space<vmem>>
      %dma_start3A_489 = tpu.memref_squeeze %dma_start3A_488 : memref<1x128xi32, #tpu.memory_space<vmem>> -> memref<128xi32, #tpu.memory_space<vmem>>
      %dma_start3A_490 = arith.constant 0 : i32
      %dma_start3A_491 = arith.constant 0 : i32
      %dma_start3A_492 = tpu.memref_slice %arg3[%dma_start3A_490, %dma_start3A_491] : memref<100000x256xf32, #tpu.memory_space<hbm>> -> memref<100000x256xf32, #tpu.memory_space<hbm>>
      %dma_start3A_493 = tpu.memref_slice %arg7[%dma_start3A_482] : memref<3x!tpu.dma_semaphore, #tpu.memory_space<semaphore_mem>> -> memref<1x!tpu.dma_semaphore, #tpu.memory_space<semaphore_mem>>
      %dma_start3A_494 = tpu.memref_squeeze %dma_start3A_493 : memref<1x!tpu.dma_semaphore, #tpu.memory_space<semaphore_mem>> -> memref<!tpu.dma_semaphore, #tpu.memory_space<semaphore_mem>>
      tpu.enqueue_indirect_dma source(%dma_start3A_492 : memref<100000x256xf32, #tpu.memory_space<hbm>>) target(%dma_start3A_486 : memref<128x256xf32, #tpu.memory_space<vmem>>) offsets(%dma_start3A_489 : memref<128xi32, #tpu.memory_space<vmem>>) semaphore(%dma_start3A_494 : memref<!tpu.dma_semaphore, #tpu.memory_space<semaphore_mem>>)
      %dma_wait3A_495 = arith.constant 1 : i32
      %dma_wait3A_496 = arith.constant 1 : i32
      %dma_wait3A_497 = arith.constant 0 : i32
      %dma_wait3A_498 = arith.constant 0 : i32
      %dma_wait3A_499 = tpu.memref_slice %arg6[%dma_wait3A_495, %dma_wait3A_497, %dma_wait3A_498] : memref<3x128x256xf32, #tpu.memory_space<vmem>> -> memref<1x128x256xf32, #tpu.memory_space<vmem>>
      %dma_wait3A_500 = tpu.memref_squeeze %dma_wait3A_499 : memref<1x128x256xf32, #tpu.memory_space<vmem>> -> memref<128x256xf32, #tpu.memory_space<vmem>>
      %dma_wait3A_501 = arith.constant 0 : i32
      %dma_wait3A_502 = tpu.memref_slice %arg4[%mul3A_2, %dma_wait3A_501] : memref<819200x256xf32, #tpu.memory_space<hbm>> -> memref<128x256xf32, #tpu.memory_space<hbm>>
      %dma_wait3A_503 = tpu.memref_slice %arg8[%dma_wait3A_496] : memref<3x!tpu.dma_semaphore, #tpu.memory_space<semaphore_mem>> -> memref<1x!tpu.dma_semaphore, #tpu.memory_space<semaphore_mem>>
      %dma_wait3A_504 = tpu.memref_squeeze %dma_wait3A_503 : memref<1x!tpu.dma_semaphore, #tpu.memory_space<semaphore_mem>> -> memref<!tpu.dma_semaphore, #tpu.memory_space<semaphore_mem>>
      %dma_wait3A_505 = arith.constant 0 : i32
      %dma_wait3A_506 = tpu.memref_slice %arg4[%mul3A_2, %dma_wait3A_505] : memref<819200x256xf32, #tpu.memory_space<hbm>> -> memref<128x256xf32, #tpu.memory_space<hbm>>
      %dma_wait3A_507 = arith.constant 0 : i32
      %dma_wait3A_508 = arith.constant 0 : i32
      %dma_wait3A_509 = tpu.memref_slice %arg6[%dma_wait3A_495, %dma_wait3A_507, %dma_wait3A_508] : memref<3x128x256xf32, #tpu.memory_space<vmem>> -> memref<1x128x256xf32, #tpu.memory_space<vmem>>
      %dma_wait3A_510 = tpu.memref_squeeze %dma_wait3A_509 : memref<1x128x256xf32, #tpu.memory_space<vmem>> -> memref<128x256xf32, #tpu.memory_space<vmem>>
      tpu.wait_dma2 semaphore(%dma_wait3A_504 : memref<!tpu.dma_semaphore, #tpu.memory_space<semaphore_mem>>) src(%dma_wait3A_510 : memref<128x256xf32, #tpu.memory_space<vmem>>) dst(%dma_wait3A_506 : memref<128x256xf32, #tpu.memory_space<hbm>>)
      %add3A_511 = arith.constant 3 : i32
      %add3A_512 = arith.addi %mul3A_343, %add3A_511 : i32
      %add3A_513 = arith.constant 1 : i32
      %add3A_514 = arith.addi %add3A_512, %add3A_513 : i32
      %dma_start3A_515 = arith.constant 1 : i32
      %dma_start3A_516 = arith.constant 1 : i32
      %dma_start3A_517 = arith.constant 0 : i32
      %dma_start3A_518 = arith.constant 0 : i32
      %dma_start3A_519 = tpu.memref_slice %arg6[%dma_start3A_515, %dma_start3A_517, %dma_start3A_518] : memref<3x128x256xf32, #tpu.memory_space<vmem>> -> memref<1x128x256xf32, #tpu.memory_space<vmem>>
      %dma_start3A_520 = tpu.memref_squeeze %dma_start3A_519 : memref<1x128x256xf32, #tpu.memory_space<vmem>> -> memref<128x256xf32, #tpu.memory_space<vmem>>
      %dma_start3A_521 = arith.constant 0 : i32
      %dma_start3A_522 = tpu.memref_slice %arg5[%add3A_514, %dma_start3A_521] : memref<200x128xi32, #tpu.memory_space<vmem>> -> memref<1x128xi32, #tpu.memory_space<vmem>>
      %dma_start3A_523 = tpu.memref_squeeze %dma_start3A_522 : memref<1x128xi32, #tpu.memory_space<vmem>> -> memref<128xi32, #tpu.memory_space<vmem>>
      %dma_start3A_524 = arith.constant 0 : i32
      %dma_start3A_525 = arith.constant 0 : i32
      %dma_start3A_526 = tpu.memref_slice %arg3[%dma_start3A_524, %dma_start3A_525] : memref<100000x256xf32, #tpu.memory_space<hbm>> -> memref<100000x256xf32, #tpu.memory_space<hbm>>
      %dma_start3A_527 = tpu.memref_slice %arg7[%dma_start3A_516] : memref<3x!tpu.dma_semaphore, #tpu.memory_space<semaphore_mem>> -> memref<1x!tpu.dma_semaphore, #tpu.memory_space<semaphore_mem>>
      %dma_start3A_528 = tpu.memref_squeeze %dma_start3A_527 : memref<1x!tpu.dma_semaphore, #tpu.memory_space<semaphore_mem>> -> memref<!tpu.dma_semaphore, #tpu.memory_space<semaphore_mem>>
      tpu.enqueue_indirect_dma source(%dma_start3A_526 : memref<100000x256xf32, #tpu.memory_space<hbm>>) target(%dma_start3A_520 : memref<128x256xf32, #tpu.memory_space<vmem>>) offsets(%dma_start3A_523 : memref<128xi32, #tpu.memory_space<vmem>>) semaphore(%dma_start3A_528 : memref<!tpu.dma_semaphore, #tpu.memory_space<semaphore_mem>>)
      %dma_wait3A_529 = arith.constant 2 : i32
      %dma_wait3A_530 = arith.constant 2 : i32
      %dma_wait3A_531 = arith.constant 0 : i32
      %dma_wait3A_532 = arith.constant 0 : i32
      %dma_wait3A_533 = tpu.memref_slice %arg6[%dma_wait3A_529, %dma_wait3A_531, %dma_wait3A_532] : memref<3x128x256xf32, #tpu.memory_space<vmem>> -> memref<1x128x256xf32, #tpu.memory_space<vmem>>
      %dma_wait3A_534 = tpu.memref_squeeze %dma_wait3A_533 : memref<1x128x256xf32, #tpu.memory_space<vmem>> -> memref<128x256xf32, #tpu.memory_space<vmem>>
      %dma_wait3A_535 = arith.constant 0 : i32
      %dma_wait3A_536 = tpu.memref_slice %arg4[%mul3A_2, %dma_wait3A_535] : memref<819200x256xf32, #tpu.memory_space<hbm>> -> memref<128x256xf32, #tpu.memory_space<hbm>>
      %dma_wait3A_537 = tpu.memref_slice %arg8[%dma_wait3A_530] : memref<3x!tpu.dma_semaphore, #tpu.memory_space<semaphore_mem>> -> memref<1x!tpu.dma_semaphore, #tpu.memory_space<semaphore_mem>>
      %dma_wait3A_538 = tpu.memref_squeeze %dma_wait3A_537 : memref<1x!tpu.dma_semaphore, #tpu.memory_space<semaphore_mem>> -> memref<!tpu.dma_semaphore, #tpu.memory_space<semaphore_mem>>
      %dma_wait3A_539 = arith.constant 0 : i32
      %dma_wait3A_540 = tpu.memref_slice %arg4[%mul3A_2, %dma_wait3A_539] : memref<819200x256xf32, #tpu.memory_space<hbm>> -> memref<128x256xf32, #tpu.memory_space<hbm>>
      %dma_wait3A_541 = arith.constant 0 : i32
      %dma_wait3A_542 = arith.constant 0 : i32
      %dma_wait3A_543 = tpu.memref_slice %arg6[%dma_wait3A_529, %dma_wait3A_541, %dma_wait3A_542] : memref<3x128x256xf32, #tpu.memory_space<vmem>> -> memref<1x128x256xf32, #tpu.memory_space<vmem>>
      %dma_wait3A_544 = tpu.memref_squeeze %dma_wait3A_543 : memref<1x128x256xf32, #tpu.memory_space<vmem>> -> memref<128x256xf32, #tpu.memory_space<vmem>>
      tpu.wait_dma2 semaphore(%dma_wait3A_538 : memref<!tpu.dma_semaphore, #tpu.memory_space<semaphore_mem>>) src(%dma_wait3A_544 : memref<128x256xf32, #tpu.memory_space<vmem>>) dst(%dma_wait3A_540 : memref<128x256xf32, #tpu.memory_space<hbm>>)
      %add3A_545 = arith.constant 3 : i32
      %add3A_546 = arith.addi %mul3A_343, %add3A_545 : i32
      %add3A_547 = arith.constant 2 : i32
      %add3A_548 = arith.addi %add3A_546, %add3A_547 : i32
      %dma_start3A_549 = arith.constant 2 : i32
      %dma_start3A_550 = arith.constant 2 : i32
      %dma_start3A_551 = arith.constant 0 : i32
      %dma_start3A_552 = arith.constant 0 : i32
      %dma_start3A_553 = tpu.memref_slice %arg6[%dma_start3A_549, %dma_start3A_551, %dma_start3A_552] : memref<3x128x256xf32, #tpu.memory_space<vmem>> -> memref<1x128x256xf32, #tpu.memory_space<vmem>>
      %dma_start3A_554 = tpu.memref_squeeze %dma_start3A_553 : memref<1x128x256xf32, #tpu.memory_space<vmem>> -> memref<128x256xf32, #tpu.memory_space<vmem>>
      %dma_start3A_555 = arith.constant 0 : i32
      %dma_start3A_556 = tpu.memref_slice %arg5[%add3A_548, %dma_start3A_555] : memref<200x128xi32, #tpu.memory_space<vmem>> -> memref<1x128xi32, #tpu.memory_space<vmem>>
      %dma_start3A_557 = tpu.memref_squeeze %dma_start3A_556 : memref<1x128xi32, #tpu.memory_space<vmem>> -> memref<128xi32, #tpu.memory_space<vmem>>
      %dma_start3A_558 = arith.constant 0 : i32
      %dma_start3A_559 = arith.constant 0 : i32
      %dma_start3A_560 = tpu.memref_slice %arg3[%dma_start3A_558, %dma_start3A_559] : memref<100000x256xf32, #tpu.memory_space<hbm>> -> memref<100000x256xf32, #tpu.memory_space<hbm>>
      %dma_start3A_561 = tpu.memref_slice %arg7[%dma_start3A_550] : memref<3x!tpu.dma_semaphore, #tpu.memory_space<semaphore_mem>> -> memref<1x!tpu.dma_semaphore, #tpu.memory_space<semaphore_mem>>
      %dma_start3A_562 = tpu.memref_squeeze %dma_start3A_561 : memref<1x!tpu.dma_semaphore, #tpu.memory_space<semaphore_mem>> -> memref<!tpu.dma_semaphore, #tpu.memory_space<semaphore_mem>>
      tpu.enqueue_indirect_dma source(%dma_start3A_560 : memref<100000x256xf32, #tpu.memory_space<hbm>>) target(%dma_start3A_554 : memref<128x256xf32, #tpu.memory_space<vmem>>) offsets(%dma_start3A_557 : memref<128xi32, #tpu.memory_space<vmem>>) semaphore(%dma_start3A_562 : memref<!tpu.dma_semaphore, #tpu.memory_space<semaphore_mem>>)
    }
    %scan3A_51 = arith.constant 65 : i32
    %dma_wait3A = arith.constant 0 : i32
    %dma_wait3A_52 = arith.constant 0 : i32
    %dma_wait3A_53 = arith.constant 0 : i32
    %dma_wait3A_54 = arith.constant 0 : i32
    %dma_wait3A_55 = tpu.memref_slice %arg6[%dma_wait3A, %dma_wait3A_53, %dma_wait3A_54] : memref<3x128x256xf32, #tpu.memory_space<vmem>> -> memref<1x128x256xf32, #tpu.memory_space<vmem>>
    %dma_wait3A_56 = tpu.memref_squeeze %dma_wait3A_55 : memref<1x128x256xf32, #tpu.memory_space<vmem>> -> memref<128x256xf32, #tpu.memory_space<vmem>>
    %dma_wait3A_57 = arith.constant 0 : i32
    %dma_wait3A_58 = arith.constant 0 : i32
    %dma_wait3A_59 = tpu.memref_slice %arg3[%dma_wait3A_57, %dma_wait3A_58] : memref<100000x256xf32, #tpu.memory_space<hbm>> -> memref<128x256xf32, #tpu.memory_space<hbm>>
    %dma_wait3A_60 = tpu.memref_slice %arg7[%dma_wait3A_52] : memref<3x!tpu.dma_semaphore, #tpu.memory_space<semaphore_mem>> -> memref<1x!tpu.dma_semaphore, #tpu.memory_space<semaphore_mem>>
    %dma_wait3A_61 = tpu.memref_squeeze %dma_wait3A_60 : memref<1x!tpu.dma_semaphore, #tpu.memory_space<semaphore_mem>> -> memref<!tpu.dma_semaphore, #tpu.memory_space<semaphore_mem>>
    %dma_wait3A_62 = arith.constant 0 : i32
    %dma_wait3A_63 = arith.constant 0 : i32
    %dma_wait3A_64 = tpu.memref_slice %arg6[%dma_wait3A, %dma_wait3A_62, %dma_wait3A_63] : memref<3x128x256xf32, #tpu.memory_space<vmem>> -> memref<1x128x256xf32, #tpu.memory_space<vmem>>
    %dma_wait3A_65 = tpu.memref_squeeze %dma_wait3A_64 : memref<1x128x256xf32, #tpu.memory_space<vmem>> -> memref<128x256xf32, #tpu.memory_space<vmem>>
    %dma_wait3A_66 = arith.constant 0 : i32
    %dma_wait3A_67 = arith.constant 0 : i32
    %dma_wait3A_68 = tpu.memref_slice %arg3[%dma_wait3A_66, %dma_wait3A_67] : memref<100000x256xf32, #tpu.memory_space<hbm>> -> memref<128x256xf32, #tpu.memory_space<hbm>>
    tpu.wait_dma2 semaphore(%dma_wait3A_61 : memref<!tpu.dma_semaphore, #tpu.memory_space<semaphore_mem>>) src(%dma_wait3A_68 : memref<128x256xf32, #tpu.memory_space<hbm>>) dst(%dma_wait3A_65 : memref<128x256xf32, #tpu.memory_space<vmem>>)
    %add3A_69 = arith.constant 24960 : i32
    %add3A_70 = arith.addi %mul3A_2, %add3A_69 : i32
    %dma_start3A_71 = arith.constant 0 : i32
    %dma_start3A_72 = arith.constant 0 : i32
    %dma_start3A_73 = arith.constant 0 : i32
    %dma_start3A_74 = arith.constant 0 : i32
    %dma_start3A_75 = tpu.memref_slice %arg6[%dma_start3A_71, %dma_start3A_73, %dma_start3A_74] : memref<3x128x256xf32, #tpu.memory_space<vmem>> -> memref<1x128x256xf32, #tpu.memory_space<vmem>>
    %dma_start3A_76 = tpu.memref_squeeze %dma_start3A_75 : memref<1x128x256xf32, #tpu.memory_space<vmem>> -> memref<128x256xf32, #tpu.memory_space<vmem>>
    %dma_start3A_77 = arith.constant 0 : i32
    %dma_start3A_78 = tpu.memref_slice %arg4[%add3A_70, %dma_start3A_77] : memref<819200x256xf32, #tpu.memory_space<hbm>> -> memref<128x256xf32, #tpu.memory_space<hbm>>
    %dma_start3A_79 = tpu.memref_slice %arg8[%dma_start3A_72] : memref<3x!tpu.dma_semaphore, #tpu.memory_space<semaphore_mem>> -> memref<1x!tpu.dma_semaphore, #tpu.memory_space<semaphore_mem>>
    %dma_start3A_80 = tpu.memref_squeeze %dma_start3A_79 : memref<1x!tpu.dma_semaphore, #tpu.memory_space<semaphore_mem>> -> memref<!tpu.dma_semaphore, #tpu.memory_space<semaphore_mem>>
    %dma_start3A_81 = arith.constant 0 : i32
    %dma_start3A_82 = tpu.memref_slice %arg4[%add3A_70, %dma_start3A_81] : memref<819200x256xf32, #tpu.memory_space<hbm>> -> memref<128x256xf32, #tpu.memory_space<hbm>>
    %dma_start3A_83 = arith.constant 0 : i32
    %dma_start3A_84 = arith.constant 0 : i32
    %dma_start3A_85 = tpu.memref_slice %arg6[%dma_start3A_71, %dma_start3A_83, %dma_start3A_84] : memref<3x128x256xf32, #tpu.memory_space<vmem>> -> memref<1x128x256xf32, #tpu.memory_space<vmem>>
    %dma_start3A_86 = tpu.memref_squeeze %dma_start3A_85 : memref<1x128x256xf32, #tpu.memory_space<vmem>> -> memref<128x256xf32, #tpu.memory_space<vmem>>
    tpu.enqueue_dma source(%dma_start3A_86 : memref<128x256xf32, #tpu.memory_space<vmem>>) target(%dma_start3A_82 : memref<128x256xf32, #tpu.memory_space<hbm>>) target_semaphore(%dma_start3A_80 : memref<!tpu.dma_semaphore, #tpu.memory_space<semaphore_mem>>)
    %dma_wait3A_87 = arith.constant 0 : i32
    %dma_wait3A_88 = arith.constant 0 : i32
    %dma_wait3A_89 = arith.constant 0 : i32
    %dma_wait3A_90 = arith.constant 0 : i32
    %dma_wait3A_91 = tpu.memref_slice %arg6[%dma_wait3A_87, %dma_wait3A_89, %dma_wait3A_90] : memref<3x128x256xf32, #tpu.memory_space<vmem>> -> memref<1x128x256xf32, #tpu.memory_space<vmem>>
    %dma_wait3A_92 = tpu.memref_squeeze %dma_wait3A_91 : memref<1x128x256xf32, #tpu.memory_space<vmem>> -> memref<128x256xf32, #tpu.memory_space<vmem>>
    %dma_wait3A_93 = arith.constant 0 : i32
    %dma_wait3A_94 = tpu.memref_slice %arg4[%mul3A_2, %dma_wait3A_93] : memref<819200x256xf32, #tpu.memory_space<hbm>> -> memref<128x256xf32, #tpu.memory_space<hbm>>
    %dma_wait3A_95 = tpu.memref_slice %arg8[%dma_wait3A_88] : memref<3x!tpu.dma_semaphore, #tpu.memory_space<semaphore_mem>> -> memref<1x!tpu.dma_semaphore, #tpu.memory_space<semaphore_mem>>
    %dma_wait3A_96 = tpu.memref_squeeze %dma_wait3A_95 : memref<1x!tpu.dma_semaphore, #tpu.memory_space<semaphore_mem>> -> memref<!tpu.dma_semaphore, #tpu.memory_space<semaphore_mem>>
    %dma_wait3A_97 = arith.constant 0 : i32
    %dma_wait3A_98 = tpu.memref_slice %arg4[%mul3A_2, %dma_wait3A_97] : memref<819200x256xf32, #tpu.memory_space<hbm>> -> memref<128x256xf32, #tpu.memory_space<hbm>>
    %dma_wait3A_99 = arith.constant 0 : i32
    %dma_wait3A_100 = arith.constant 0 : i32
    %dma_wait3A_101 = tpu.memref_slice %arg6[%dma_wait3A_87, %dma_wait3A_99, %dma_wait3A_100] : memref<3x128x256xf32, #tpu.memory_space<vmem>> -> memref<1x128x256xf32, #tpu.memory_space<vmem>>
    %dma_wait3A_102 = tpu.memref_squeeze %dma_wait3A_101 : memref<1x128x256xf32, #tpu.memory_space<vmem>> -> memref<128x256xf32, #tpu.memory_space<vmem>>
    tpu.wait_dma2 semaphore(%dma_wait3A_96 : memref<!tpu.dma_semaphore, #tpu.memory_space<semaphore_mem>>) src(%dma_wait3A_102 : memref<128x256xf32, #tpu.memory_space<vmem>>) dst(%dma_wait3A_98 : memref<128x256xf32, #tpu.memory_space<hbm>>)
    %dma_start3A_103 = arith.constant 198 : i32
    %dma_start3A_104 = arith.constant 0 : i32
    %dma_start3A_105 = arith.constant 0 : i32
    %dma_start3A_106 = arith.constant 0 : i32
    %dma_start3A_107 = arith.constant 0 : i32
    %dma_start3A_108 = tpu.memref_slice %arg6[%dma_start3A_104, %dma_start3A_106, %dma_start3A_107] : memref<3x128x256xf32, #tpu.memory_space<vmem>> -> memref<1x128x256xf32, #tpu.memory_space<vmem>>
    %dma_start3A_109 = tpu.memref_squeeze %dma_start3A_108 : memref<1x128x256xf32, #tpu.memory_space<vmem>> -> memref<128x256xf32, #tpu.memory_space<vmem>>
    %dma_start3A_110 = arith.constant 0 : i32
    %dma_start3A_111 = tpu.memref_slice %arg5[%dma_start3A_103, %dma_start3A_110] : memref<200x128xi32, #tpu.memory_space<vmem>> -> memref<1x128xi32, #tpu.memory_space<vmem>>
    %dma_start3A_112 = tpu.memref_squeeze %dma_start3A_111 : memref<1x128xi32, #tpu.memory_space<vmem>> -> memref<128xi32, #tpu.memory_space<vmem>>
    %dma_start3A_113 = arith.constant 0 : i32
    %dma_start3A_114 = arith.constant 0 : i32
    %dma_start3A_115 = tpu.memref_slice %arg3[%dma_start3A_113, %dma_start3A_114] : memref<100000x256xf32, #tpu.memory_space<hbm>> -> memref<100000x256xf32, #tpu.memory_space<hbm>>
    %dma_start3A_116 = tpu.memref_slice %arg7[%dma_start3A_105] : memref<3x!tpu.dma_semaphore, #tpu.memory_space<semaphore_mem>> -> memref<1x!tpu.dma_semaphore, #tpu.memory_space<semaphore_mem>>
    %dma_start3A_117 = tpu.memref_squeeze %dma_start3A_116 : memref<1x!tpu.dma_semaphore, #tpu.memory_space<semaphore_mem>> -> memref<!tpu.dma_semaphore, #tpu.memory_space<semaphore_mem>>
    tpu.enqueue_indirect_dma source(%dma_start3A_115 : memref<100000x256xf32, #tpu.memory_space<hbm>>) target(%dma_start3A_109 : memref<128x256xf32, #tpu.memory_space<vmem>>) offsets(%dma_start3A_112 : memref<128xi32, #tpu.memory_space<vmem>>) semaphore(%dma_start3A_117 : memref<!tpu.dma_semaphore, #tpu.memory_space<semaphore_mem>>)
    %dma_wait3A_118 = arith.constant 1 : i32
    %dma_wait3A_119 = arith.constant 1 : i32
    %dma_wait3A_120 = arith.constant 0 : i32
    %dma_wait3A_121 = arith.constant 0 : i32
    %dma_wait3A_122 = tpu.memref_slice %arg6[%dma_wait3A_118, %dma_wait3A_120, %dma_wait3A_121] : memref<3x128x256xf32, #tpu.memory_space<vmem>> -> memref<1x128x256xf32, #tpu.memory_space<vmem>>
    %dma_wait3A_123 = tpu.memref_squeeze %dma_wait3A_122 : memref<1x128x256xf32, #tpu.memory_space<vmem>> -> memref<128x256xf32, #tpu.memory_space<vmem>>
    %dma_wait3A_124 = arith.constant 0 : i32
    %dma_wait3A_125 = arith.constant 0 : i32
    %dma_wait3A_126 = tpu.memref_slice %arg3[%dma_wait3A_124, %dma_wait3A_125] : memref<100000x256xf32, #tpu.memory_space<hbm>> -> memref<128x256xf32, #tpu.memory_space<hbm>>
    %dma_wait3A_127 = tpu.memref_slice %arg7[%dma_wait3A_119] : memref<3x!tpu.dma_semaphore, #tpu.memory_space<semaphore_mem>> -> memref<1x!tpu.dma_semaphore, #tpu.memory_space<semaphore_mem>>
    %dma_wait3A_128 = tpu.memref_squeeze %dma_wait3A_127 : memref<1x!tpu.dma_semaphore, #tpu.memory_space<semaphore_mem>> -> memref<!tpu.dma_semaphore, #tpu.memory_space<semaphore_mem>>
    %dma_wait3A_129 = arith.constant 0 : i32
    %dma_wait3A_130 = arith.constant 0 : i32
    %dma_wait3A_131 = tpu.memref_slice %arg6[%dma_wait3A_118, %dma_wait3A_129, %dma_wait3A_130] : memref<3x128x256xf32, #tpu.memory_space<vmem>> -> memref<1x128x256xf32, #tpu.memory_space<vmem>>
    %dma_wait3A_132 = tpu.memref_squeeze %dma_wait3A_131 : memref<1x128x256xf32, #tpu.memory_space<vmem>> -> memref<128x256xf32, #tpu.memory_space<vmem>>
    %dma_wait3A_133 = arith.constant 0 : i32
    %dma_wait3A_134 = arith.constant 0 : i32
    %dma_wait3A_135 = tpu.memref_slice %arg3[%dma_wait3A_133, %dma_wait3A_134] : memref<100000x256xf32, #tpu.memory_space<hbm>> -> memref<128x256xf32, #tpu.memory_space<hbm>>
    tpu.wait_dma2 semaphore(%dma_wait3A_128 : memref<!tpu.dma_semaphore, #tpu.memory_space<semaphore_mem>>) src(%dma_wait3A_135 : memref<128x256xf32, #tpu.memory_space<hbm>>) dst(%dma_wait3A_132 : memref<128x256xf32, #tpu.memory_space<vmem>>)
    %add3A_136 = arith.constant 25088 : i32
    %add3A_137 = arith.addi %mul3A_2, %add3A_136 : i32
    %dma_start3A_138 = arith.constant 1 : i32
    %dma_start3A_139 = arith.constant 1 : i32
    %dma_start3A_140 = arith.constant 0 : i32
    %dma_start3A_141 = arith.constant 0 : i32
    %dma_start3A_142 = tpu.memref_slice %arg6[%dma_start3A_138, %dma_start3A_140, %dma_start3A_141] : memref<3x128x256xf32, #tpu.memory_space<vmem>> -> memref<1x128x256xf32, #tpu.memory_space<vmem>>
    %dma_start3A_143 = tpu.memref_squeeze %dma_start3A_142 : memref<1x128x256xf32, #tpu.memory_space<vmem>> -> memref<128x256xf32, #tpu.memory_space<vmem>>
    %dma_start3A_144 = arith.constant 0 : i32
    %dma_start3A_145 = tpu.memref_slice %arg4[%add3A_137, %dma_start3A_144] : memref<819200x256xf32, #tpu.memory_space<hbm>> -> memref<128x256xf32, #tpu.memory_space<hbm>>
    %dma_start3A_146 = tpu.memref_slice %arg8[%dma_start3A_139] : memref<3x!tpu.dma_semaphore, #tpu.memory_space<semaphore_mem>> -> memref<1x!tpu.dma_semaphore, #tpu.memory_space<semaphore_mem>>
    %dma_start3A_147 = tpu.memref_squeeze %dma_start3A_146 : memref<1x!tpu.dma_semaphore, #tpu.memory_space<semaphore_mem>> -> memref<!tpu.dma_semaphore, #tpu.memory_space<semaphore_mem>>
    %dma_start3A_148 = arith.constant 0 : i32
    %dma_start3A_149 = tpu.memref_slice %arg4[%add3A_137, %dma_start3A_148] : memref<819200x256xf32, #tpu.memory_space<hbm>> -> memref<128x256xf32, #tpu.memory_space<hbm>>
    %dma_start3A_150 = arith.constant 0 : i32
    %dma_start3A_151 = arith.constant 0 : i32
    %dma_start3A_152 = tpu.memref_slice %arg6[%dma_start3A_138, %dma_start3A_150, %dma_start3A_151] : memref<3x128x256xf32, #tpu.memory_space<vmem>> -> memref<1x128x256xf32, #tpu.memory_space<vmem>>
    %dma_start3A_153 = tpu.memref_squeeze %dma_start3A_152 : memref<1x128x256xf32, #tpu.memory_space<vmem>> -> memref<128x256xf32, #tpu.memory_space<vmem>>
    tpu.enqueue_dma source(%dma_start3A_153 : memref<128x256xf32, #tpu.memory_space<vmem>>) target(%dma_start3A_149 : memref<128x256xf32, #tpu.memory_space<hbm>>) target_semaphore(%dma_start3A_147 : memref<!tpu.dma_semaphore, #tpu.memory_space<semaphore_mem>>)
    %dma_wait3A_154 = arith.constant 1 : i32
    %dma_wait3A_155 = arith.constant 1 : i32
    %dma_wait3A_156 = arith.constant 0 : i32
    %dma_wait3A_157 = arith.constant 0 : i32
    %dma_wait3A_158 = tpu.memref_slice %arg6[%dma_wait3A_154, %dma_wait3A_156, %dma_wait3A_157] : memref<3x128x256xf32, #tpu.memory_space<vmem>> -> memref<1x128x256xf32, #tpu.memory_space<vmem>>
    %dma_wait3A_159 = tpu.memref_squeeze %dma_wait3A_158 : memref<1x128x256xf32, #tpu.memory_space<vmem>> -> memref<128x256xf32, #tpu.memory_space<vmem>>
    %dma_wait3A_160 = arith.constant 0 : i32
    %dma_wait3A_161 = tpu.memref_slice %arg4[%mul3A_2, %dma_wait3A_160] : memref<819200x256xf32, #tpu.memory_space<hbm>> -> memref<128x256xf32, #tpu.memory_space<hbm>>
    %dma_wait3A_162 = tpu.memref_slice %arg8[%dma_wait3A_155] : memref<3x!tpu.dma_semaphore, #tpu.memory_space<semaphore_mem>> -> memref<1x!tpu.dma_semaphore, #tpu.memory_space<semaphore_mem>>
    %dma_wait3A_163 = tpu.memref_squeeze %dma_wait3A_162 : memref<1x!tpu.dma_semaphore, #tpu.memory_space<semaphore_mem>> -> memref<!tpu.dma_semaphore, #tpu.memory_space<semaphore_mem>>
    %dma_wait3A_164 = arith.constant 0 : i32
    %dma_wait3A_165 = tpu.memref_slice %arg4[%mul3A_2, %dma_wait3A_164] : memref<819200x256xf32, #tpu.memory_space<hbm>> -> memref<128x256xf32, #tpu.memory_space<hbm>>
    %dma_wait3A_166 = arith.constant 0 : i32
    %dma_wait3A_167 = arith.constant 0 : i32
    %dma_wait3A_168 = tpu.memref_slice %arg6[%dma_wait3A_154, %dma_wait3A_166, %dma_wait3A_167] : memref<3x128x256xf32, #tpu.memory_space<vmem>> -> memref<1x128x256xf32, #tpu.memory_space<vmem>>
    %dma_wait3A_169 = tpu.memref_squeeze %dma_wait3A_168 : memref<1x128x256xf32, #tpu.memory_space<vmem>> -> memref<128x256xf32, #tpu.memory_space<vmem>>
    tpu.wait_dma2 semaphore(%dma_wait3A_163 : memref<!tpu.dma_semaphore, #tpu.memory_space<semaphore_mem>>) src(%dma_wait3A_169 : memref<128x256xf32, #tpu.memory_space<vmem>>) dst(%dma_wait3A_165 : memref<128x256xf32, #tpu.memory_space<hbm>>)
    %dma_start3A_170 = arith.constant 199 : i32
    %dma_start3A_171 = arith.constant 1 : i32
    %dma_start3A_172 = arith.constant 1 : i32
    %dma_start3A_173 = arith.constant 0 : i32
    %dma_start3A_174 = arith.constant 0 : i32
    %dma_start3A_175 = tpu.memref_slice %arg6[%dma_start3A_171, %dma_start3A_173, %dma_start3A_174] : memref<3x128x256xf32, #tpu.memory_space<vmem>> -> memref<1x128x256xf32, #tpu.memory_space<vmem>>
    %dma_start3A_176 = tpu.memref_squeeze %dma_start3A_175 : memref<1x128x256xf32, #tpu.memory_space<vmem>> -> memref<128x256xf32, #tpu.memory_space<vmem>>
    %dma_start3A_177 = arith.constant 0 : i32
    %dma_start3A_178 = tpu.memref_slice %arg5[%dma_start3A_170, %dma_start3A_177] : memref<200x128xi32, #tpu.memory_space<vmem>> -> memref<1x128xi32, #tpu.memory_space<vmem>>
    %dma_start3A_179 = tpu.memref_squeeze %dma_start3A_178 : memref<1x128xi32, #tpu.memory_space<vmem>> -> memref<128xi32, #tpu.memory_space<vmem>>
    %dma_start3A_180 = arith.constant 0 : i32
    %dma_start3A_181 = arith.constant 0 : i32
    %dma_start3A_182 = tpu.memref_slice %arg3[%dma_start3A_180, %dma_start3A_181] : memref<100000x256xf32, #tpu.memory_space<hbm>> -> memref<100000x256xf32, #tpu.memory_space<hbm>>
    %dma_start3A_183 = tpu.memref_slice %arg7[%dma_start3A_172] : memref<3x!tpu.dma_semaphore, #tpu.memory_space<semaphore_mem>> -> memref<1x!tpu.dma_semaphore, #tpu.memory_space<semaphore_mem>>
    %dma_start3A_184 = tpu.memref_squeeze %dma_start3A_183 : memref<1x!tpu.dma_semaphore, #tpu.memory_space<semaphore_mem>> -> memref<!tpu.dma_semaphore, #tpu.memory_space<semaphore_mem>>
    tpu.enqueue_indirect_dma source(%dma_start3A_182 : memref<100000x256xf32, #tpu.memory_space<hbm>>) target(%dma_start3A_176 : memref<128x256xf32, #tpu.memory_space<vmem>>) offsets(%dma_start3A_179 : memref<128xi32, #tpu.memory_space<vmem>>) semaphore(%dma_start3A_184 : memref<!tpu.dma_semaphore, #tpu.memory_space<semaphore_mem>>)
    %dma_wait3A_185 = arith.constant 2 : i32
    %dma_wait3A_186 = arith.constant 2 : i32
    %dma_wait3A_187 = arith.constant 0 : i32
    %dma_wait3A_188 = arith.constant 0 : i32
    %dma_wait3A_189 = tpu.memref_slice %arg6[%dma_wait3A_185, %dma_wait3A_187, %dma_wait3A_188] : memref<3x128x256xf32, #tpu.memory_space<vmem>> -> memref<1x128x256xf32, #tpu.memory_space<vmem>>
    %dma_wait3A_190 = tpu.memref_squeeze %dma_wait3A_189 : memref<1x128x256xf32, #tpu.memory_space<vmem>> -> memref<128x256xf32, #tpu.memory_space<vmem>>
    %dma_wait3A_191 = arith.constant 0 : i32
    %dma_wait3A_192 = arith.constant 0 : i32
    %dma_wait3A_193 = tpu.memref_slice %arg3[%dma_wait3A_191, %dma_wait3A_192] : memref<100000x256xf32, #tpu.memory_space<hbm>> -> memref<128x256xf32, #tpu.memory_space<hbm>>
    %dma_wait3A_194 = tpu.memref_slice %arg7[%dma_wait3A_186] : memref<3x!tpu.dma_semaphore, #tpu.memory_space<semaphore_mem>> -> memref<1x!tpu.dma_semaphore, #tpu.memory_space<semaphore_mem>>
    %dma_wait3A_195 = tpu.memref_squeeze %dma_wait3A_194 : memref<1x!tpu.dma_semaphore, #tpu.memory_space<semaphore_mem>> -> memref<!tpu.dma_semaphore, #tpu.memory_space<semaphore_mem>>
    %dma_wait3A_196 = arith.constant 0 : i32
    %dma_wait3A_197 = arith.constant 0 : i32
    %dma_wait3A_198 = tpu.memref_slice %arg6[%dma_wait3A_185, %dma_wait3A_196, %dma_wait3A_197] : memref<3x128x256xf32, #tpu.memory_space<vmem>> -> memref<1x128x256xf32, #tpu.memory_space<vmem>>
    %dma_wait3A_199 = tpu.memref_squeeze %dma_wait3A_198 : memref<1x128x256xf32, #tpu.memory_space<vmem>> -> memref<128x256xf32, #tpu.memory_space<vmem>>
    %dma_wait3A_200 = arith.constant 0 : i32
    %dma_wait3A_201 = arith.constant 0 : i32
    %dma_wait3A_202 = tpu.memref_slice %arg3[%dma_wait3A_200, %dma_wait3A_201] : memref<100000x256xf32, #tpu.memory_space<hbm>> -> memref<128x256xf32, #tpu.memory_space<hbm>>
    tpu.wait_dma2 semaphore(%dma_wait3A_195 : memref<!tpu.dma_semaphore, #tpu.memory_space<semaphore_mem>>) src(%dma_wait3A_202 : memref<128x256xf32, #tpu.memory_space<hbm>>) dst(%dma_wait3A_199 : memref<128x256xf32, #tpu.memory_space<vmem>>)
    %add3A_203 = arith.constant 25216 : i32
    %add3A_204 = arith.addi %mul3A_2, %add3A_203 : i32
    %dma_start3A_205 = arith.constant 2 : i32
    %dma_start3A_206 = arith.constant 2 : i32
    %dma_start3A_207 = arith.constant 0 : i32
    %dma_start3A_208 = arith.constant 0 : i32
    %dma_start3A_209 = tpu.memref_slice %arg6[%dma_start3A_205, %dma_start3A_207, %dma_start3A_208] : memref<3x128x256xf32, #tpu.memory_space<vmem>> -> memref<1x128x256xf32, #tpu.memory_space<vmem>>
    %dma_start3A_210 = tpu.memref_squeeze %dma_start3A_209 : memref<1x128x256xf32, #tpu.memory_space<vmem>> -> memref<128x256xf32, #tpu.memory_space<vmem>>
    %dma_start3A_211 = arith.constant 0 : i32
    %dma_start3A_212 = tpu.memref_slice %arg4[%add3A_204, %dma_start3A_211] : memref<819200x256xf32, #tpu.memory_space<hbm>> -> memref<128x256xf32, #tpu.memory_space<hbm>>
    %dma_start3A_213 = tpu.memref_slice %arg8[%dma_start3A_206] : memref<3x!tpu.dma_semaphore, #tpu.memory_space<semaphore_mem>> -> memref<1x!tpu.dma_semaphore, #tpu.memory_space<semaphore_mem>>
    %dma_start3A_214 = tpu.memref_squeeze %dma_start3A_213 : memref<1x!tpu.dma_semaphore, #tpu.memory_space<semaphore_mem>> -> memref<!tpu.dma_semaphore, #tpu.memory_space<semaphore_mem>>
    %dma_start3A_215 = arith.constant 0 : i32
    %dma_start3A_216 = tpu.memref_slice %arg4[%add3A_204, %dma_start3A_215] : memref<819200x256xf32, #tpu.memory_space<hbm>> -> memref<128x256xf32, #tpu.memory_space<hbm>>
    %dma_start3A_217 = arith.constant 0 : i32
    %dma_start3A_218 = arith.constant 0 : i32
    %dma_start3A_219 = tpu.memref_slice %arg6[%dma_start3A_205, %dma_start3A_217, %dma_start3A_218] : memref<3x128x256xf32, #tpu.memory_space<vmem>> -> memref<1x128x256xf32, #tpu.memory_space<vmem>>
    %dma_start3A_220 = tpu.memref_squeeze %dma_start3A_219 : memref<1x128x256xf32, #tpu.memory_space<vmem>> -> memref<128x256xf32, #tpu.memory_space<vmem>>
    tpu.enqueue_dma source(%dma_start3A_220 : memref<128x256xf32, #tpu.memory_space<vmem>>) target(%dma_start3A_216 : memref<128x256xf32, #tpu.memory_space<hbm>>) target_semaphore(%dma_start3A_214 : memref<!tpu.dma_semaphore, #tpu.memory_space<semaphore_mem>>)
    %dma_wait3A_221 = arith.constant 0 : i32
    %dma_wait3A_222 = arith.constant 0 : i32
    %dma_wait3A_223 = arith.constant 0 : i32
    %dma_wait3A_224 = arith.constant 0 : i32
    %dma_wait3A_225 = tpu.memref_slice %arg6[%dma_wait3A_221, %dma_wait3A_223, %dma_wait3A_224] : memref<3x128x256xf32, #tpu.memory_space<vmem>> -> memref<1x128x256xf32, #tpu.memory_space<vmem>>
    %dma_wait3A_226 = tpu.memref_squeeze %dma_wait3A_225 : memref<1x128x256xf32, #tpu.memory_space<vmem>> -> memref<128x256xf32, #tpu.memory_space<vmem>>
    %dma_wait3A_227 = arith.constant 0 : i32
    %dma_wait3A_228 = arith.constant 0 : i32
    %dma_wait3A_229 = tpu.memref_slice %arg3[%dma_wait3A_227, %dma_wait3A_228] : memref<100000x256xf32, #tpu.memory_space<hbm>> -> memref<128x256xf32, #tpu.memory_space<hbm>>
    %dma_wait3A_230 = tpu.memref_slice %arg7[%dma_wait3A_222] : memref<3x!tpu.dma_semaphore, #tpu.memory_space<semaphore_mem>> -> memref<1x!tpu.dma_semaphore, #tpu.memory_space<semaphore_mem>>
    %dma_wait3A_231 = tpu.memref_squeeze %dma_wait3A_230 : memref<1x!tpu.dma_semaphore, #tpu.memory_space<semaphore_mem>> -> memref<!tpu.dma_semaphore, #tpu.memory_space<semaphore_mem>>
    %dma_wait3A_232 = arith.constant 0 : i32
    %dma_wait3A_233 = arith.constant 0 : i32
    %dma_wait3A_234 = tpu.memref_slice %arg6[%dma_wait3A_221, %dma_wait3A_232, %dma_wait3A_233] : memref<3x128x256xf32, #tpu.memory_space<vmem>> -> memref<1x128x256xf32, #tpu.memory_space<vmem>>
    %dma_wait3A_235 = tpu.memref_squeeze %dma_wait3A_234 : memref<1x128x256xf32, #tpu.memory_space<vmem>> -> memref<128x256xf32, #tpu.memory_space<vmem>>
    %dma_wait3A_236 = arith.constant 0 : i32
    %dma_wait3A_237 = arith.constant 0 : i32
    %dma_wait3A_238 = tpu.memref_slice %arg3[%dma_wait3A_236, %dma_wait3A_237] : memref<100000x256xf32, #tpu.memory_space<hbm>> -> memref<128x256xf32, #tpu.memory_space<hbm>>
    tpu.wait_dma2 semaphore(%dma_wait3A_231 : memref<!tpu.dma_semaphore, #tpu.memory_space<semaphore_mem>>) src(%dma_wait3A_238 : memref<128x256xf32, #tpu.memory_space<hbm>>) dst(%dma_wait3A_235 : memref<128x256xf32, #tpu.memory_space<vmem>>)
    %add3A_239 = arith.constant 25344 : i32
    %add3A_240 = arith.addi %mul3A_2, %add3A_239 : i32
    %dma_start3A_241 = arith.constant 0 : i32
    %dma_start3A_242 = arith.constant 0 : i32
    %dma_start3A_243 = arith.constant 0 : i32
    %dma_start3A_244 = arith.constant 0 : i32
    %dma_start3A_245 = tpu.memref_slice %arg6[%dma_start3A_241, %dma_start3A_243, %dma_start3A_244] : memref<3x128x256xf32, #tpu.memory_space<vmem>> -> memref<1x128x256xf32, #tpu.memory_space<vmem>>
    %dma_start3A_246 = tpu.memref_squeeze %dma_start3A_245 : memref<1x128x256xf32, #tpu.memory_space<vmem>> -> memref<128x256xf32, #tpu.memory_space<vmem>>
    %dma_start3A_247 = arith.constant 0 : i32
    %dma_start3A_248 = tpu.memref_slice %arg4[%add3A_240, %dma_start3A_247] : memref<819200x256xf32, #tpu.memory_space<hbm>> -> memref<128x256xf32, #tpu.memory_space<hbm>>
    %dma_start3A_249 = tpu.memref_slice %arg8[%dma_start3A_242] : memref<3x!tpu.dma_semaphore, #tpu.memory_space<semaphore_mem>> -> memref<1x!tpu.dma_semaphore, #tpu.memory_space<semaphore_mem>>
    %dma_start3A_250 = tpu.memref_squeeze %dma_start3A_249 : memref<1x!tpu.dma_semaphore, #tpu.memory_space<semaphore_mem>> -> memref<!tpu.dma_semaphore, #tpu.memory_space<semaphore_mem>>
    %dma_start3A_251 = arith.constant 0 : i32
    %dma_start3A_252 = tpu.memref_slice %arg4[%add3A_240, %dma_start3A_251] : memref<819200x256xf32, #tpu.memory_space<hbm>> -> memref<128x256xf32, #tpu.memory_space<hbm>>
    %dma_start3A_253 = arith.constant 0 : i32
    %dma_start3A_254 = arith.constant 0 : i32
    %dma_start3A_255 = tpu.memref_slice %arg6[%dma_start3A_241, %dma_start3A_253, %dma_start3A_254] : memref<3x128x256xf32, #tpu.memory_space<vmem>> -> memref<1x128x256xf32, #tpu.memory_space<vmem>>
    %dma_start3A_256 = tpu.memref_squeeze %dma_start3A_255 : memref<1x128x256xf32, #tpu.memory_space<vmem>> -> memref<128x256xf32, #tpu.memory_space<vmem>>
    tpu.enqueue_dma source(%dma_start3A_256 : memref<128x256xf32, #tpu.memory_space<vmem>>) target(%dma_start3A_252 : memref<128x256xf32, #tpu.memory_space<hbm>>) target_semaphore(%dma_start3A_250 : memref<!tpu.dma_semaphore, #tpu.memory_space<semaphore_mem>>)
    %dma_wait3A_257 = arith.constant 1 : i32
    %dma_wait3A_258 = arith.constant 1 : i32
    %dma_wait3A_259 = arith.constant 0 : i32
    %dma_wait3A_260 = arith.constant 0 : i32
    %dma_wait3A_261 = tpu.memref_slice %arg6[%dma_wait3A_257, %dma_wait3A_259, %dma_wait3A_260] : memref<3x128x256xf32, #tpu.memory_space<vmem>> -> memref<1x128x256xf32, #tpu.memory_space<vmem>>
    %dma_wait3A_262 = tpu.memref_squeeze %dma_wait3A_261 : memref<1x128x256xf32, #tpu.memory_space<vmem>> -> memref<128x256xf32, #tpu.memory_space<vmem>>
    %dma_wait3A_263 = arith.constant 0 : i32
    %dma_wait3A_264 = arith.constant 0 : i32
    %dma_wait3A_265 = tpu.memref_slice %arg3[%dma_wait3A_263, %dma_wait3A_264] : memref<100000x256xf32, #tpu.memory_space<hbm>> -> memref<128x256xf32, #tpu.memory_space<hbm>>
    %dma_wait3A_266 = tpu.memref_slice %arg7[%dma_wait3A_258] : memref<3x!tpu.dma_semaphore, #tpu.memory_space<semaphore_mem>> -> memref<1x!tpu.dma_semaphore, #tpu.memory_space<semaphore_mem>>
    %dma_wait3A_267 = tpu.memref_squeeze %dma_wait3A_266 : memref<1x!tpu.dma_semaphore, #tpu.memory_space<semaphore_mem>> -> memref<!tpu.dma_semaphore, #tpu.memory_space<semaphore_mem>>
    %dma_wait3A_268 = arith.constant 0 : i32
    %dma_wait3A_269 = arith.constant 0 : i32
    %dma_wait3A_270 = tpu.memref_slice %arg6[%dma_wait3A_257, %dma_wait3A_268, %dma_wait3A_269] : memref<3x128x256xf32, #tpu.memory_space<vmem>> -> memref<1x128x256xf32, #tpu.memory_space<vmem>>
    %dma_wait3A_271 = tpu.memref_squeeze %dma_wait3A_270 : memref<1x128x256xf32, #tpu.memory_space<vmem>> -> memref<128x256xf32, #tpu.memory_space<vmem>>
    %dma_wait3A_272 = arith.constant 0 : i32
    %dma_wait3A_273 = arith.constant 0 : i32
    %dma_wait3A_274 = tpu.memref_slice %arg3[%dma_wait3A_272, %dma_wait3A_273] : memref<100000x256xf32, #tpu.memory_space<hbm>> -> memref<128x256xf32, #tpu.memory_space<hbm>>
    tpu.wait_dma2 semaphore(%dma_wait3A_267 : memref<!tpu.dma_semaphore, #tpu.memory_space<semaphore_mem>>) src(%dma_wait3A_274 : memref<128x256xf32, #tpu.memory_space<hbm>>) dst(%dma_wait3A_271 : memref<128x256xf32, #tpu.memory_space<vmem>>)
    %add3A_275 = arith.constant 25472 : i32
    %add3A_276 = arith.addi %mul3A_2, %add3A_275 : i32
    %dma_start3A_277 = arith.constant 1 : i32
    %dma_start3A_278 = arith.constant 1 : i32
    %dma_start3A_279 = arith.constant 0 : i32
    %dma_start3A_280 = arith.constant 0 : i32
    %dma_start3A_281 = tpu.memref_slice %arg6[%dma_start3A_277, %dma_start3A_279, %dma_start3A_280] : memref<3x128x256xf32, #tpu.memory_space<vmem>> -> memref<1x128x256xf32, #tpu.memory_space<vmem>>
    %dma_start3A_282 = tpu.memref_squeeze %dma_start3A_281 : memref<1x128x256xf32, #tpu.memory_space<vmem>> -> memref<128x256xf32, #tpu.memory_space<vmem>>
    %dma_start3A_283 = arith.constant 0 : i32
    %dma_start3A_284 = tpu.memref_slice %arg4[%add3A_276, %dma_start3A_283] : memref<819200x256xf32, #tpu.memory_space<hbm>> -> memref<128x256xf32, #tpu.memory_space<hbm>>
    %dma_start3A_285 = tpu.memref_slice %arg8[%dma_start3A_278] : memref<3x!tpu.dma_semaphore, #tpu.memory_space<semaphore_mem>> -> memref<1x!tpu.dma_semaphore, #tpu.memory_space<semaphore_mem>>
    %dma_start3A_286 = tpu.memref_squeeze %dma_start3A_285 : memref<1x!tpu.dma_semaphore, #tpu.memory_space<semaphore_mem>> -> memref<!tpu.dma_semaphore, #tpu.memory_space<semaphore_mem>>
    %dma_start3A_287 = arith.constant 0 : i32
    %dma_start3A_288 = tpu.memref_slice %arg4[%add3A_276, %dma_start3A_287] : memref<819200x256xf32, #tpu.memory_space<hbm>> -> memref<128x256xf32, #tpu.memory_space<hbm>>
    %dma_start3A_289 = arith.constant 0 : i32
    %dma_start3A_290 = arith.constant 0 : i32
    %dma_start3A_291 = tpu.memref_slice %arg6[%dma_start3A_277, %dma_start3A_289, %dma_start3A_290] : memref<3x128x256xf32, #tpu.memory_space<vmem>> -> memref<1x128x256xf32, #tpu.memory_space<vmem>>
    %dma_start3A_292 = tpu.memref_squeeze %dma_start3A_291 : memref<1x128x256xf32, #tpu.memory_space<vmem>> -> memref<128x256xf32, #tpu.memory_space<vmem>>
    tpu.enqueue_dma source(%dma_start3A_292 : memref<128x256xf32, #tpu.memory_space<vmem>>) target(%dma_start3A_288 : memref<128x256xf32, #tpu.memory_space<hbm>>) target_semaphore(%dma_start3A_286 : memref<!tpu.dma_semaphore, #tpu.memory_space<semaphore_mem>>)
    %dma_wait3A_293 = arith.constant 2 : i32
    %dma_wait3A_294 = arith.constant 2 : i32
    %dma_wait3A_295 = arith.constant 0 : i32
    %dma_wait3A_296 = arith.constant 0 : i32
    %dma_wait3A_297 = tpu.memref_slice %arg6[%dma_wait3A_293, %dma_wait3A_295, %dma_wait3A_296] : memref<3x128x256xf32, #tpu.memory_space<vmem>> -> memref<1x128x256xf32, #tpu.memory_space<vmem>>
    %dma_wait3A_298 = tpu.memref_squeeze %dma_wait3A_297 : memref<1x128x256xf32, #tpu.memory_space<vmem>> -> memref<128x256xf32, #tpu.memory_space<vmem>>
    %dma_wait3A_299 = arith.constant 0 : i32
    %dma_wait3A_300 = tpu.memref_slice %arg4[%mul3A_2, %dma_wait3A_299] : memref<819200x256xf32, #tpu.memory_space<hbm>> -> memref<128x256xf32, #tpu.memory_space<hbm>>
    %dma_wait3A_301 = tpu.memref_slice %arg8[%dma_wait3A_294] : memref<3x!tpu.dma_semaphore, #tpu.memory_space<semaphore_mem>> -> memref<1x!tpu.dma_semaphore, #tpu.memory_space<semaphore_mem>>
    %dma_wait3A_302 = tpu.memref_squeeze %dma_wait3A_301 : memref<1x!tpu.dma_semaphore, #tpu.memory_space<semaphore_mem>> -> memref<!tpu.dma_semaphore, #tpu.memory_space<semaphore_mem>>
    %dma_wait3A_303 = arith.constant 0 : i32
    %dma_wait3A_304 = tpu.memref_slice %arg4[%mul3A_2, %dma_wait3A_303] : memref<819200x256xf32, #tpu.memory_space<hbm>> -> memref<128x256xf32, #tpu.memory_space<hbm>>
    %dma_wait3A_305 = arith.constant 0 : i32
    %dma_wait3A_306 = arith.constant 0 : i32
    %dma_wait3A_307 = tpu.memref_slice %arg6[%dma_wait3A_293, %dma_wait3A_305, %dma_wait3A_306] : memref<3x128x256xf32, #tpu.memory_space<vmem>> -> memref<1x128x256xf32, #tpu.memory_space<vmem>>
    %dma_wait3A_308 = tpu.memref_squeeze %dma_wait3A_307 : memref<1x128x256xf32, #tpu.memory_space<vmem>> -> memref<128x256xf32, #tpu.memory_space<vmem>>
    tpu.wait_dma2 semaphore(%dma_wait3A_302 : memref<!tpu.dma_semaphore, #tpu.memory_space<semaphore_mem>>) src(%dma_wait3A_308 : memref<128x256xf32, #tpu.memory_space<vmem>>) dst(%dma_wait3A_304 : memref<128x256xf32, #tpu.memory_space<hbm>>)
    %dma_wait3A_309 = arith.constant 0 : i32
    %dma_wait3A_310 = arith.constant 0 : i32
    %dma_wait3A_311 = arith.constant 0 : i32
    %dma_wait3A_312 = arith.constant 0 : i32
    %dma_wait3A_313 = tpu.memref_slice %arg6[%dma_wait3A_309, %dma_wait3A_311, %dma_wait3A_312] : memref<3x128x256xf32, #tpu.memory_space<vmem>> -> memref<1x128x256xf32, #tpu.memory_space<vmem>>
    %dma_wait3A_314 = tpu.memref_squeeze %dma_wait3A_313 : memref<1x128x256xf32, #tpu.memory_space<vmem>> -> memref<128x256xf32, #tpu.memory_space<vmem>>
    %dma_wait3A_315 = arith.constant 0 : i32
    %dma_wait3A_316 = tpu.memref_slice %arg4[%mul3A_2, %dma_wait3A_315] : memref<819200x256xf32, #tpu.memory_space<hbm>> -> memref<128x256xf32, #tpu.memory_space<hbm>>
    %dma_wait3A_317 = tpu.memref_slice %arg8[%dma_wait3A_310] : memref<3x!tpu.dma_semaphore, #tpu.memory_space<semaphore_mem>> -> memref<1x!tpu.dma_semaphore, #tpu.memory_space<semaphore_mem>>
    %dma_wait3A_318 = tpu.memref_squeeze %dma_wait3A_317 : memref<1x!tpu.dma_semaphore, #tpu.memory_space<semaphore_mem>> -> memref<!tpu.dma_semaphore, #tpu.memory_space<semaphore_mem>>
    %dma_wait3A_319 = arith.constant 0 : i32
    %dma_wait3A_320 = tpu.memref_slice %arg4[%mul3A_2, %dma_wait3A_319] : memref<819200x256xf32, #tpu.memory_space<hbm>> -> memref<128x256xf32, #tpu.memory_space<hbm>>
    %dma_wait3A_321 = arith.constant 0 : i32
    %dma_wait3A_322 = arith.constant 0 : i32
    %dma_wait3A_323 = tpu.memref_slice %arg6[%dma_wait3A_309, %dma_wait3A_321, %dma_wait3A_322] : memref<3x128x256xf32, #tpu.memory_space<vmem>> -> memref<1x128x256xf32, #tpu.memory_space<vmem>>
    %dma_wait3A_324 = tpu.memref_squeeze %dma_wait3A_323 : memref<1x128x256xf32, #tpu.memory_space<vmem>> -> memref<128x256xf32, #tpu.memory_space<vmem>>
    tpu.wait_dma2 semaphore(%dma_wait3A_318 : memref<!tpu.dma_semaphore, #tpu.memory_space<semaphore_mem>>) src(%dma_wait3A_324 : memref<128x256xf32, #tpu.memory_space<vmem>>) dst(%dma_wait3A_320 : memref<128x256xf32, #tpu.memory_space<hbm>>)
    %dma_wait3A_325 = arith.constant 1 : i32
    %dma_wait3A_326 = arith.constant 1 : i32
    %dma_wait3A_327 = arith.constant 0 : i32
    %dma_wait3A_328 = arith.constant 0 : i32
    %dma_wait3A_329 = tpu.memref_slice %arg6[%dma_wait3A_325, %dma_wait3A_327, %dma_wait3A_328] : memref<3x128x256xf32, #tpu.memory_space<vmem>> -> memref<1x128x256xf32, #tpu.memory_space<vmem>>
    %dma_wait3A_330 = tpu.memref_squeeze %dma_wait3A_329 : memref<1x128x256xf32, #tpu.memory_space<vmem>> -> memref<128x256xf32, #tpu.memory_space<vmem>>
    %dma_wait3A_331 = arith.constant 0 : i32
    %dma_wait3A_332 = tpu.memref_slice %arg4[%mul3A_2, %dma_wait3A_331] : memref<819200x256xf32, #tpu.memory_space<hbm>> -> memref<128x256xf32, #tpu.memory_space<hbm>>
    %dma_wait3A_333 = tpu.memref_slice %arg8[%dma_wait3A_326] : memref<3x!tpu.dma_semaphore, #tpu.memory_space<semaphore_mem>> -> memref<1x!tpu.dma_semaphore, #tpu.memory_space<semaphore_mem>>
    %dma_wait3A_334 = tpu.memref_squeeze %dma_wait3A_333 : memref<1x!tpu.dma_semaphore, #tpu.memory_space<semaphore_mem>> -> memref<!tpu.dma_semaphore, #tpu.memory_space<semaphore_mem>>
    %dma_wait3A_335 = arith.constant 0 : i32
    %dma_wait3A_336 = tpu.memref_slice %arg4[%mul3A_2, %dma_wait3A_335] : memref<819200x256xf32, #tpu.memory_space<hbm>> -> memref<128x256xf32, #tpu.memory_space<hbm>>
    %dma_wait3A_337 = arith.constant 0 : i32
    %dma_wait3A_338 = arith.constant 0 : i32
    %dma_wait3A_339 = tpu.memref_slice %arg6[%dma_wait3A_325, %dma_wait3A_337, %dma_wait3A_338] : memref<3x128x256xf32, #tpu.memory_space<vmem>> -> memref<1x128x256xf32, #tpu.memory_space<vmem>>
    %dma_wait3A_340 = tpu.memref_squeeze %dma_wait3A_339 : memref<1x128x256xf32, #tpu.memory_space<vmem>> -> memref<128x256xf32, #tpu.memory_space<vmem>>
    tpu.wait_dma2 semaphore(%dma_wait3A_334 : memref<!tpu.dma_semaphore, #tpu.memory_space<semaphore_mem>>) src(%dma_wait3A_340 : memref<128x256xf32, #tpu.memory_space<vmem>>) dst(%dma_wait3A_336 : memref<128x256xf32, #tpu.memory_space<hbm>>)
    return
  }
}

</mosaic_0001>

<sc_bundles>
// kernel: _emb_lookup.3.cloned.1.call-start
scs
__scs_entry_jumppad:
0x0: {  	(pc) =	sbr.rel $0x88, $3  }
0x1: {  	(tag) =	ssettag $0x0;
	lr =	simm.s32 $0x1  }
0x2: {  	[smem:$0x3F9F] =	sst lr;
	_ =	strace $0xD0000000  }
0x3: {  	_ = 	snop  }
0x4: {  	_ = 	snop  }
0x5: {  	_ = 	snop  }
0x6: {  	_ = 	snop  }
0x7: {  	_ = 	snop  }
__scs_overlays_trampoline_lowered:
0x8: {  	[smem:$0x3FAE] =	sst s0  }
0x9: {  	[smem:$0x3FAF] =	sst s1  }
0xa: {  	[smem:$0x3FB0] =	sst s2  }
0xb: {  	[smem:$0x3FB1] =	sst s3  }
0xc: {  	[smem:$0x3FB2] =	sst s4  }
0xd: {  	[smem:$0x3FB3] =	sst s5  }
0xe: {  	[smem:$0x3FB4] =	sst s6  }
0xf: {  	[smem:$0x3FB5] =	sst s7  }
0x10: {  	[smem:$0x3FB6] =	sst s8  }
0x11: {  	[smem:$0x3FB7] =	sst s9;
	s0 =	simm.s32 @!p0 $0x0  }
0x12: {  	s1 =	sld [smem:$0x3F9D];
	s0 =	simm.s32 @p0 $0x1  }
0x13: {  	[smem:$0x3FB8] =	sst s0;
	s0 =	simm.s32 @!p1 $0x0  }
0x14: {  	s2 =	sld [smem:$0x3F9C];
	s0 =	simm.s32 @p1 $0x1  }
0x15: {  	[smem:$0x3FB9] =	sst s0;
	s0 =	simm.s32 @!p2 $0x0  }
0x16: {  	s3 =	sld [smem:$0x3FDB];
	s0 =	simm.s32 @p2 $0x1  }
0x17: {  	s4 =	simm.s32 $0x1BF5;
	[smem:$0x3FBB] =	sst s0  }
0x18: {  	s0 =	sld [smem:$0x3F9E];
	_ =	swait.ge [sflag:s4], $0x0  }
0x19: {  	s7 =	sld [smem:$0x3F9F]  }
0x1a: {  	s8 =	sadd.s32 $0xFFFFE003, lr  }
0x1b: {  	s9 =	sadd.s32 $0xFFFFFEF7, lr;
	s5 =	simm.s32 $0xFFFFFFFF;
	p2 =	slt.u32 s8, $0xFFFFF086  }
0x1c: {  	p1 =	slt.u32 s9, $0xF7A;
	s5 =	simm.s32 @!p2 $0x0  }
0x1d: {  	s5 =	simm.s32 @p1 $0x1;
	p0 =	seq.s32 s7, s2  }
0x1e: {  	s7 =	smul.u32 @!p0 $0xF7A, s2;
	p2 =	seq.s32 @!p0 s5, $0x0  }
0x1f: {  	s9 =	smul.u32 $0xF7A, s1;
	s8 =	simm.s32 @!p0 $0x1BF5;
	p2 =	por !p2, p0  }
0x20: {  	[sflag:s8] =	ssyncset.s32 @!p0 $0xFFFFF086;
	s6 =	sadd.s32 @!p0 s3, s7;
	s7 =	simm.s32 @!p0 $0x108  }
0x21: {  	s3 =	sadd.s32 s3, s9;
	s6 =	sadd.s32 @!p0 $0x88, s6;
	s7 =	simm.s32 @p2 $0x1082  }
0x22: {  	[simem:s7], [sflag:s8] =	dma.local @!p0 [hbm:s6], $0xF7A  }
0x23: {  	s9 =	sor.u32 $0xD0000000, s2;
	s6 =	simm.s32 $0x108;
	_ =	swait.ge @!p0 [sflag:s8], $0x0  }
0x24: {  	s3 =	sadd.s32 $0x88, s3;
	s6 =	simm.s32 @!p1 $0x1082;
	[sflag:s4] =	ssyncset.s32 $0xFFFFF086  }
0x25: {  	[simem:s6], [sflag:s4] =	dma.local [hbm:s3], $0xF7A  }
0x26: {  	[smem:$0x3F9F] =	sst s1;
	(tag) =	ssettag s2;
	_ =	strace s9  }
0x27: {  	s1 =	sld [smem:$0x3FAF]  }
0x28: {  	s2 =	sld [smem:$0x3FB0]  }
0x29: {  	s4 =	sld [smem:$0x3FB2]  }
0x2a: {  	p0 =	seq.s32 s5, $0x0;
	s5 =	sld [smem:$0x3FB3]  }
0x2b: {  	s6 =	sld [smem:$0x3FB4]  }
0x2c: {  	s7 =	sld [smem:$0x3FB5]  }
0x2d: {  	s3 =	simm.s32 $0x108;
	s8 =	sld [smem:$0x3FB6]  }
0x2e: {  	s3 =	simm.s32 @!p0 $0x1082;
	s9 =	sld [smem:$0x3FB7]  }
0x2f: {  	lr =	sadd.s32 s0, s3;
	s0 =	sld [smem:$0x3FAE]  }
0x30: {  	s3 =	sld [smem:$0x3FB1]  }
0x31: {  	[smem:$0x3FBA] =	sst s10  }
0x32: {  	s10 =	sld [smem:$0x3FB8];
	_ =	sdelay $0x3  }
0x33: {  	p0 =	seq.s32 s10, $0x1;
	s10 =	sld [smem:$0x3FBA];
	_ =	sdelay $0x3  }
0x34: {  	[smem:$0x3FBA] =	sst s10  }
0x35: {  	s10 =	sld [smem:$0x3FB9];
	_ =	sdelay $0x3  }
0x36: {  	p1 =	seq.s32 s10, $0x1;
	s10 =	sld [smem:$0x3FBA];
	_ =	sdelay $0x3  }
0x37: {  	[smem:$0x3FBA] =	sst s10  }
0x38: {  	s10 =	sld [smem:$0x3FBB]  }
0x39: {  	_ = 	snop;
	(pc) =	sbr.ind lr, $3  }
0x3a: {  	_ = 	snop  }
0x3b: {  	_ = 	snop  }
0x3c: {  	p2 =	seq.s32 s10, $0x1;
	s10 =	sld [smem:$0x3FBA]  }
0x3d: {  	_ =	shalt  }
0x3e: {  	_ =	shalt  }
0x3f: {  	_ =	shalt  }
0x40: {  	_ =	shalt  }
0x41: {  	_ =	shalt  }
0x42: {  	_ =	shalt  }
0x43: {  	_ =	shalt  }
0x44: {  	_ =	shalt  }
0x45: {  	_ =	shalt  }
0x46: {  	_ =	shalt  }
0x47: {  	_ =	shalt  }
0x48: {  	_ =	shalt  }
0x49: {  	_ =	shalt  }
0x4a: {  	_ =	shalt  }
0x4b: {  	_ =	shalt  }
0x4c: {  	_ =	shalt  }
0x4d: {  	_ =	shalt  }
0x4e: {  	_ =	shalt  }
0x4f: {  	_ =	shalt  }
0x50: {  	_ =	shalt  }
0x51: {  	_ =	shalt  }
0x52: {  	_ =	shalt  }
0x53: {  	_ =	shalt  }
0x54: {  	_ =	shalt  }
0x55: {  	_ =	shalt  }
0x56: {  	_ =	shalt  }
0x57: {  	_ =	shalt  }
0x58: {  	_ =	shalt  }
0x59: {  	_ =	shalt  }
0x5a: {  	_ =	shalt  }
0x5b: {  	_ =	shalt  }
0x5c: {  	_ =	shalt  }
0x5d: {  	_ =	shalt  }
0x5e: {  	_ =	shalt  }
0x5f: {  	_ =	shalt  }
0x60: {  	_ =	shalt  }
0x61: {  	_ =	shalt  }
0x62: {  	_ =	shalt  }
0x63: {  	_ =	shalt  }
0x64: {  	_ =	shalt  }
0x65: {  	_ =	shalt  }
0x66: {  	_ =	shalt  }
0x67: {  	_ =	shalt  }
0x68: {  	_ =	shalt  }
0x69: {  	_ =	shalt  }
0x6a: {  	_ =	shalt  }
0x6b: {  	_ =	shalt  }
0x6c: {  	_ =	shalt  }
0x6d: {  	_ =	shalt  }
0x6e: {  	_ =	shalt  }
0x6f: {  	_ =	shalt  }
0x70: {  	_ =	shalt  }
0x71: {  	_ =	shalt  }
0x72: {  	_ =	shalt  }
0x73: {  	_ =	shalt  }
0x74: {  	_ =	shalt  }
0x75: {  	_ =	shalt  }
0x76: {  	_ =	shalt  }
0x77: {  	_ =	shalt  }
0x78: {  	_ =	shalt  }
0x79: {  	_ =	shalt  }
0x7a: {  	_ =	shalt  }
0x7b: {  	_ =	shalt  }
0x7c: {  	_ =	shalt  }
0x7d: {  	_ =	shalt  }
0x7e: {  	_ =	shalt  }
0x7f: {  	_ =	shalt  }
0x80: {  	_ =	shalt  }
0x81: {  	_ =	shalt  }
0x82: {  	_ =	shalt  }
0x83: {  	_ =	shalt  }
0x84: {  	_ =	shalt  }
0x85: {  	_ =	shalt  }
0x86: {  	_ =	shalt  }
0x87: {  	_ =	shalt  }
.Lfunc_end0:
.L_simem_size_0:
called_computation_lowered:
.L_overlay_start_0:
0x88: {  	s2 =	sld [smem:$0x3FD9]  }
0x89: {  	s3 =	sld [smem:$0x3FFE];
	_ =	sdelay $0x1  }
0x8a: {  	s1 =	srdreg.scid  }
0x8b: {  	s0 =	sand.u32 $0x1, s1  }
0x8c: {  	s18 =	sshll.u32 s0, $0xA;
	s2 =	sadd.s32 s3, s2  }
0x8d: {  	s2 =	sadd.s32 s2, s18  }
0x8e: {  	[smem:$0x3FC6] =	sst s2  }
0x8f: {  	_ = 	snop  }
0x90: {  	s2 =	sld [smem:$0x3FC9]  }
0x91: {  	s19 =	sld [smem:$0x3FC8]  }
0x92: {  	s4 =	sld [smem:$0x3FD0];
	(tm) =	ssettm $0x1  }
0x93: {  	s5 =	sld [smem:$0x3FFB];
	_ =	sdelay $0x3  }
0x94: {  	_ =	strace s5  }
0x95: {  	s5 =	sld [smem:$0x3FFC];
	_ =	sdelay $0x3  }
0x96: {  	_ =	strace s5  }
0x97: {  	s5 =	sld [smem:$0x3FFD];
	_ =	sdelay $0x3  }
0x98: {  	_ =	strace s5  }
0x99: {  	_ =	strace $0x8FFFFFFF  }
0x9a: {  	s20 =	sld [smem:$0x3FDB];
	_ =	sdelay $0x1  }
0x9b: {  	s6 =	simm.s32 $_scs_section_size  }
0x9c: {  	s7 =	simm.s32 $_size__tile_overlayer_lowered;
	s8 =	simm.s32 $_tile_overlayer_lowered  }
0x9d: {  	s23 =	simm.s32 $0x1BFF;
	s22 =	sshll.u32 s8, $0x1;
	s5 =	sadd.s32 s6, s20  }
0x9e: {  	s9 =	simm.s32 $0x0;
	s21 =	sshll.u32 s7, $0x1;
	s7 =	sadd.s32 s22, s5  }
0x9f: {  	[timem:s9], [sflag:s23] =	dma.local [hbm:s7], s21  }
0xa0: {  	_ =	swait.ge [sflag:s23], s21  }
0xa1: {  	s6 =	ssub.s32 $0x0, s21;
	[sflag:s23] =	ssyncset.done $0x0  }
0xa2: {  	[sflag:s23] =	ssyncadd.s32 s6;
	_ =	sdelay $0x1  }
0xa3: {  	s24 =	simm.s32 $0x1B8B  }
0xa4: {  	_ =	swait.ge [sflag:s24], $0x1  }
0xa5: {  	[sflag:s24] =	ssyncset.done $0x0  }
0xa6: {  	s25 =	simm.s32 $0x1B8E;
	[sflag:s24] =	ssyncadd.s32 $0xFFFFFFFF  }
0xa7: {  	s26 =	simm.s32 $execute0_lowered;
	[smem:$0x3FD2] =	sst s25  }
0xa8: {  	s6 =	sshll.u32 s26, $0x1;
	_ =	strace $0x80000046;
	[dreg:$0x1] =	wrdreg $0xFFFFFFFF  }
0xa9: {  	s28 =	simm.s32 $_size_execute0_lowered;
	s5 =	sadd.s32 s5, s6;
	[dreg:$0x0] =	wrdreg $0x0  }
0xaa: {  	s6 =	sshll.u32 s28, $0x1;
	[dreg:$0x2] =	wrdreg s5  }
0xab: {  	[dreg:$0x3] =	wrdreg s6  }
0xac: {  	[dreg:$0x4] =	wrdreg $0xC0  }
0xad: {  	_ =	task [dreg:s9], $0x5FFFF  }
0xae: {  	[dreg:$0x1] =	wrdreg $0xFFFFFFFF  }
0xaf: {  	[dreg:$0x0] =	wrdreg $0x60  }
0xb0: {  	[dreg:$0x2] =	wrdreg s2  }
0xb1: {  	[dreg:$0x3] =	wrdreg s19  }
0xb2: {  	[dreg:$0x4] =	wrdreg s4  }
0xb3: {  	[dreg:$0x5] =	wrdreg $0x9  }
0xb4: {  	_ =	task.clear_ibuf [dreg:s9], $0x6FFFF;
	_ =	strace $0x90000046  }
0xb5: {  	s29 =	simm.s32 $0x9;
	_ =	strace $0x80000048  }
0xb6: {  	_ =	swait.ge [sflag:s29], $0x1  }
0xb7: {  	[sflag:s29] =	ssyncadd.s32 $0xFFFFFFFF  }
0xb8: {  	_ =	strace $0x90000048  }
0xb9: {  	_ =	sfence  }
0xba: {  	s30 =	sld [smem:$0x0];
	_ =	sdelay $0x2  }
0xbb: {  	s31 =	sshll.u32 s1, $0xD;
	s1 =	sshrl.u32 s1, $0x2  }
0xbc: {  	s3 =	sand.u32 $0x4000, s31;
	s1 =	sadd.s32 s1, s30  }
0xbd: {  	s0 =	sor.u32 s3, s0;
	s1 =	sshll.u32 s1, $0x11  }
0xbe: {  	s0 =	sor.u32 s1, s0  }
0xbf: {  	s0 =	sadd.s32 $0x8F2B, s0  }
0xc0: {  	[sflag:s0] =	ssyncadd.remote.s32 $0x1  }
0xc1: {  	_ =	sfence.sel $0xFFFF  }
0xc2: {  	[dreg:$0x0] =	wrdreg $0xFFFFFFFF;
	(pc) =	sbr.abs _section_cstart, $3  }
0xc3: {  	[dreg:$0x1] =	wrdreg $0xFFFFFFFF  }
0xc4: {  	_ =	task.clear_ibuf [dreg:s9], $0x2FFFF;
	_ =	strace $0x9FFFFFFF  }
0xc5: {  	(tm) =	ssettm $0x7FFFFFFF  }
tec
execute0_lowered:
.L_overlay_start_1:
0x0: {  	(tag) =	ssettag $0x1  }
0x1: {  	s0 =	rddreg [dreg:$0x0]  }
0x2: {  	s1 =	srdreg.scid;
	s2 =	rddreg [dreg:$0x1]  }
0x3: {  	s9 =	stileid.u32;
	s4 =	rddreg [dreg:$0x2]  }
0x4: {  	s12 =	simm.s32 $0x6400;
	s29 =	simm.s32 $0xE400;
	s14 =	simm.s32 $0x15400  }
0x5: {  	s15 =	simm.s32 $0x15C00;
	s16 =	simm.s32 $0x16400;
	s18 =	simm.s32 $0x19C00  }
0x6: {  	s10 =	simm.s32 $0x1CC00;
	s11 =	simm.s32 $0x1D400;
	s13 =	simm.s32 $0x1DC00  }
0x7: {  	s19 =	simm.s32 $0x3;
	s28 =	simm.s32 $0x4;
	s17 =	simm.s32 $0x6  }
0x8: {  	s30 =	simm.s32 $0x0;
	s1 =	sand.u32 $0x1, s1;
	s3 =	sshll.u32 s9, $0x1  }
0x9: {  	s21 =	smul.u32 $0x190000, s9;
	s9 =	simm.s32 $0x1C400;
	s5 =	sor.u32 s1, s3  }
0xa: {  	s3 =	simm.s32 $0x0;
	s7 =	ssub.s32 $0x2, s1;
	s6 =	smul.u32 $0x6400, s5  }
0xb: {  	[smem:$0x7FF] =	sst s3;
	s5 =	smul.u32 $0x640000, s5;
	s8 =	sshrl.u32 s7, $0x1  }
0xc: {  	s1 =	smul.u32 $0xC8000, s1;
	_ =	strace $0x80000047;
	s7 =	ssub.s32 s7, s8  }
0xd: {  	s8 =	simm.s32 $0x1BC00;
	s6 =	sshrl.u32 s6, $0x3;
	s5 =	sshrl.u32 s5, $0x3  }
0xe: {  	s26 =	smax.u32 s7, $0x1;
	s7 =	simm.s32 $0x1B400;
	s0 =	sadd.s32 s0, s6  }
0xf: {  	s20 =	sadd.s32 s4, s5;
	s4 =	sadd.s32 s21, s4;
	[dreg:$0xb] =	wrdreg s26  }
0x10: {  	s5 =	simm.s32 $0x19400;
	[dreg:$0x5] =	wrdreg s0;
	s22 =	sadd.s32 $0xC3000, s20  }
0x11: {  	s6 =	simm.s32 $0x1A400;
	s23 =	sadd.s32 $0xC4000, s20;
	[dreg:$0x6] =	wrdreg s22  }
0x12: {  	s21 =	simm.s32 $0x1;
	s24 =	sadd.s32 $0xC5000, s20;
	[dreg:$0x7] =	wrdreg s23  }
0x13: {  	s26 =	simm.s32 $0x2;
	s25 =	sadd.s32 $0xC6000, s20;
	[dreg:$0x8] =	wrdreg s24  }
0x14: {  	s0 =	sadd.s32 $0xC7000, s20;
	s31 =	sadd.s32 s1, s4;
	[dreg:$0x9] =	wrdreg s25  }
0x15: {  	v2 =	vlaneseq.u32;
	s20 =	simm.s32 $0x17400;
	s4 =	simm.s32 $0x18C00;
	[dreg:$0xa] =	wrdreg s0  }
0x16: {  	vm0 =	vmmov $0xffff;
	v1 =	vshrl.u32 v2, $0x3;
	[dreg:$0x4] =	wrdreg s31;
	s23 =	simm.s32 $0x16C00;
	s0 =	simm.s32 $0x17C00  }
0x17: {  	v0 =	vand.u32 $0x7, v2;
	v2 =	vor.u32 $0x8, v2;
	v1 =	vmul.u32 $0x8, v1;
	s24 =	simm.s32 $0x18400;
	s25 =	simm.s32 $0x1AC00;
	s22 =	simm.s32 $0x5  }
.LBB2_1:
0x18: {  	s1 =	rddreg [dreg:$0x5]  }
0x19: {  	[tilespmem:s3], [sflag:$0x7] =	stream.linear.gather [hbm4b:s1+s3], $0x6400, $0x38;
	[tilespmem:$0x1E400] =	vst v63  }
0x1a: {  	[dreg:$0xc] =	wrdreg s30;
	s1 =	simm.s32 $0x7  }
0x1b: {  	_ =	swait.ge [sflag:s1], $0x6400  }
0x1c: {  	[sflag:s1] =	ssyncset.done $0x0  }
0x1d: {  	[sflag:s1] =	ssyncadd.s32 $0xFFFF9C00  }
0x1e: {  	v3 =	vld [tilespmem:$0x0];
	_ =	sdelay $0x4  }
0x1f: {  	v4 =	vshll.u32 v3, $0x1  }
0x20: {  	v3 =	vand.u32 $0x7, v3;
	v4 =	vand.u32 $0xFFFFFFF0, v4  }
0x21: {  	v3 =	vor.u32 v3, v4  }
0x22: {  	v4 =	vperm.xlane v3, v0;
	_ =	sdelay $0x1  }
0x23: {  	v3 =	vperm.xlane v3, v2;
	v4 =	vadd.s32 v1, v4;
	_ =	sdelay $0x1  }
0x24: {  	v3 =	vadd.s32 v1, v3;
	_ =	sdelay $0x2  }
0x25: {  	[tilespmem:s12], [sflag:$0x1] =	stream.indirect_vreg.gather [hbm4b:s2+s3], $0x80, v4, vm0, $0xb8;
	[tilespmem:$0x1E400] =	vst v63  }
0x26: {  	s1 =	simm.s32 $0x6C00  }
0x27: {  	[tilespmem:s1], [sflag:$0x1] =	stream.indirect_vreg.gather [hbm4b:s2+s3], $0x80, v3, vm0, $0xb8;
	[tilespmem:$0x1E400] =	vst v63  }
0x28: {  	v3 =	vld [tilespmem:$0x10];
	_ =	sdelay $0x4  }
0x29: {  	v41 =	vshll.u32 v3, $0x1  }
0x2a: {  	v3 =	vand.u32 $0x7, v3;
	v4 =	vand.u32 $0xFFFFFFF0, v41  }
0x2b: {  	v3 =	vor.u32 v3, v4  }
0x2c: {  	v4 =	vperm.xlane v3, v0;
	_ =	sdelay $0x1  }
0x2d: {  	v3 =	vperm.xlane v3, v2;
	v4 =	vadd.s32 v1, v4;
	_ =	sdelay $0x1  }
0x2e: {  	v3 =	vadd.s32 v1, v3;
	_ =	sdelay $0x1  }
0x2f: {  	s1 =	simm.s32 $0x7400  }
0x30: {  	[tilespmem:s1], [sflag:$0x1] =	stream.indirect_vreg.gather [hbm4b:s2+s3], $0x80, v4, vm0, $0xb8;
	[tilespmem:$0x1E400] =	vst v63  }
0x31: {  	s1 =	simm.s32 $0x7C00  }
0x32: {  	[tilespmem:s1], [sflag:$0x1] =	stream.indirect_vreg.gather [hbm4b:s2+s3], $0x80, v3, vm0, $0xb8;
	[tilespmem:$0x1E400] =	vst v63  }
0x33: {  	v3 =	vld [tilespmem:$0x20];
	_ =	sdelay $0x4  }
0x34: {  	v42 =	vshll.u32 v3, $0x1  }
0x35: {  	v3 =	vand.u32 $0x7, v3;
	v4 =	vand.u32 $0xFFFFFFF0, v42  }
0x36: {  	v3 =	vor.u32 v3, v4  }
0x37: {  	v4 =	vperm.xlane v3, v0;
	_ =	sdelay $0x1  }
0x38: {  	v3 =	vperm.xlane v3, v2;
	v4 =	vadd.s32 v1, v4;
	_ =	sdelay $0x1  }
0x39: {  	v3 =	vadd.s32 v1, v3;
	_ =	sdelay $0x1  }
0x3a: {  	s1 =	simm.s32 $0x8400  }
0x3b: {  	[tilespmem:s1], [sflag:$0x1] =	stream.indirect_vreg.gather [hbm4b:s2+s3], $0x80, v4, vm0, $0xb8;
	[tilespmem:$0x1E400] =	vst v63  }
0x3c: {  	s1 =	simm.s32 $0x8C00  }
0x3d: {  	[tilespmem:s1], [sflag:$0x1] =	stream.indirect_vreg.gather [hbm4b:s2+s3], $0x80, v3, vm0, $0xb8;
	[tilespmem:$0x1E400] =	vst v63  }
0x3e: {  	v3 =	vld [tilespmem:$0x30];
	_ =	sdelay $0x4  }
0x3f: {  	v43 =	vshll.u32 v3, $0x1  }
0x40: {  	v3 =	vand.u32 $0x7, v3;
	v4 =	vand.u32 $0xFFFFFFF0, v43  }
0x41: {  	v3 =	vor.u32 v3, v4  }
0x42: {  	v4 =	vperm.xlane v3, v0;
	_ =	sdelay $0x1  }
0x43: {  	v3 =	vperm.xlane v3, v2;
	v4 =	vadd.s32 v1, v4;
	_ =	sdelay $0x1  }
0x44: {  	v3 =	vadd.s32 v1, v3;
	_ =	sdelay $0x1  }
0x45: {  	s1 =	simm.s32 $0x9400  }
0x46: {  	[tilespmem:s1], [sflag:$0x1] =	stream.indirect_vreg.gather [hbm4b:s2+s3], $0x80, v4, vm0, $0xb8;
	[tilespmem:$0x1E400] =	vst v63  }
0x47: {  	s1 =	simm.s32 $0x9C00  }
0x48: {  	[tilespmem:s1], [sflag:$0x1] =	stream.indirect_vreg.gather [hbm4b:s2+s3], $0x80, v3, vm0, $0xb8;
	[tilespmem:$0x1E400] =	vst v63  }
0x49: {  	v3 =	vld [tilespmem:$0x40];
	_ =	sdelay $0x4  }
0x4a: {  	v44 =	vshll.u32 v3, $0x1  }
0x4b: {  	v3 =	vand.u32 $0x7, v3;
	v4 =	vand.u32 $0xFFFFFFF0, v44  }
0x4c: {  	v3 =	vor.u32 v3, v4  }
0x4d: {  	v4 =	vperm.xlane v3, v0;
	_ =	sdelay $0x1  }
0x4e: {  	v3 =	vperm.xlane v3, v2;
	v4 =	vadd.s32 v1, v4;
	_ =	sdelay $0x1  }
0x4f: {  	v3 =	vadd.s32 v1, v3;
	_ =	sdelay $0x1  }
0x50: {  	s1 =	simm.s32 $0xA400  }
0x51: {  	[tilespmem:s1], [sflag:$0x1] =	stream.indirect_vreg.gather [hbm4b:s2+s3], $0x80, v4, vm0, $0xb8;
	[tilespmem:$0x1E400] =	vst v63  }
0x52: {  	s1 =	simm.s32 $0xAC00  }
0x53: {  	[tilespmem:s1], [sflag:$0x1] =	stream.indirect_vreg.gather [hbm4b:s2+s3], $0x80, v3, vm0, $0xb8;
	[tilespmem:$0x1E400] =	vst v63  }
0x54: {  	v3 =	vld [tilespmem:$0x50];
	_ =	sdelay $0x4  }
0x55: {  	v45 =	vshll.u32 v3, $0x1  }
0x56: {  	v3 =	vand.u32 $0x7, v3;
	v4 =	vand.u32 $0xFFFFFFF0, v45  }
0x57: {  	v3 =	vor.u32 v3, v4  }
0x58: {  	v4 =	vperm.xlane v3, v0;
	_ =	sdelay $0x1  }
0x59: {  	v3 =	vperm.xlane v3, v2;
	v4 =	vadd.s32 v1, v4;
	_ =	sdelay $0x1  }
0x5a: {  	v3 =	vadd.s32 v1, v3;
	_ =	sdelay $0x1  }
0x5b: {  	s1 =	simm.s32 $0xB400  }
0x5c: {  	[tilespmem:s1], [sflag:$0x1] =	stream.indirect_vreg.gather [hbm4b:s2+s3], $0x80, v4, vm0, $0xb8;
	[tilespmem:$0x1E400] =	vst v63  }
0x5d: {  	s1 =	simm.s32 $0xBC00  }
0x5e: {  	[tilespmem:s1], [sflag:$0x1] =	stream.indirect_vreg.gather [hbm4b:s2+s3], $0x80, v3, vm0, $0xb8;
	[tilespmem:$0x1E400] =	vst v63  }
0x5f: {  	v3 =	vld [tilespmem:$0x60];
	_ =	sdelay $0x4  }
0x60: {  	v46 =	vshll.u32 v3, $0x1  }
0x61: {  	v3 =	vand.u32 $0x7, v3;
	v4 =	vand.u32 $0xFFFFFFF0, v46  }
0x62: {  	v3 =	vor.u32 v3, v4  }
0x63: {  	v4 =	vperm.xlane v3, v0;
	_ =	sdelay $0x1  }
0x64: {  	v3 =	vperm.xlane v3, v2;
	v4 =	vadd.s32 v1, v4;
	_ =	sdelay $0x1  }
0x65: {  	v3 =	vadd.s32 v1, v3;
	_ =	sdelay $0x1  }
0x66: {  	s1 =	simm.s32 $0xC400  }
0x67: {  	[tilespmem:s1], [sflag:$0x1] =	stream.indirect_vreg.gather [hbm4b:s2+s3], $0x80, v4, vm0, $0xb8;
	[tilespmem:$0x1E400] =	vst v63  }
0x68: {  	s1 =	simm.s32 $0xCC00  }
0x69: {  	[tilespmem:s1], [sflag:$0x1] =	stream.indirect_vreg.gather [hbm4b:s2+s3], $0x80, v3, vm0, $0xb8;
	[tilespmem:$0x1E400] =	vst v63  }
0x6a: {  	v3 =	vld [tilespmem:$0x70];
	_ =	sdelay $0x4  }
0x6b: {  	v47 =	vshll.u32 v3, $0x1  }
0x6c: {  	v3 =	vand.u32 $0x7, v3;
	v4 =	vand.u32 $0xFFFFFFF0, v47  }
0x6d: {  	v3 =	vor.u32 v3, v4  }
0x6e: {  	v4 =	vperm.xlane v3, v0;
	_ =	sdelay $0x1  }
0x6f: {  	v3 =	vperm.xlane v3, v2;
	v4 =	vadd.s32 v1, v4;
	_ =	sdelay $0x1  }
0x70: {  	v3 =	vadd.s32 v1, v3;
	_ =	sdelay $0x1  }
0x71: {  	s1 =	simm.s32 $0xD400  }
0x72: {  	[tilespmem:s1], [sflag:$0x1] =	stream.indirect_vreg.gather [hbm4b:s2+s3], $0x80, v4, vm0, $0xb8;
	[tilespmem:$0x1E400] =	vst v63  }
0x73: {  	s1 =	simm.s32 $0xDC00  }
0x74: {  	[tilespmem:s1], [sflag:$0x1] =	stream.indirect_vreg.gather [hbm4b:s2+s3], $0x80, v3, vm0, $0xb8;
	[tilespmem:$0x1E400] =	vst v63  }
0x75: {  	v3 =	vld [tilespmem:$0x80];
	_ =	sdelay $0x4  }
0x76: {  	v48 =	vshll.u32 v3, $0x1  }
0x77: {  	v3 =	vand.u32 $0x7, v3;
	v4 =	vand.u32 $0xFFFFFFF0, v48  }
0x78: {  	v3 =	vor.u32 v3, v4  }
0x79: {  	v4 =	vperm.xlane v3, v0;
	_ =	sdelay $0x1  }
0x7a: {  	v3 =	vperm.xlane v3, v2;
	v4 =	vadd.s32 v1, v4;
	_ =	sdelay $0x1  }
0x7b: {  	v3 =	vadd.s32 v1, v3;
	_ =	sdelay $0x2  }
0x7c: {  	[tilespmem:s29], [sflag:$0x2] =	stream.indirect_vreg.gather [hbm4b:s2+s3], $0x80, v4, vm0, $0xb8;
	[tilespmem:$0x1E400] =	vst v63  }
0x7d: {  	s1 =	simm.s32 $0xEC00  }
0x7e: {  	[tilespmem:s1], [sflag:$0x2] =	stream.indirect_vreg.gather [hbm4b:s2+s3], $0x80, v3, vm0, $0xb8;
	[tilespmem:$0x1E400] =	vst v63  }
0x7f: {  	v3 =	vld [tilespmem:$0x90];
	_ =	sdelay $0x4  }
0x80: {  	v49 =	vshll.u32 v3, $0x1  }
0x81: {  	v3 =	vand.u32 $0x7, v3;
	v4 =	vand.u32 $0xFFFFFFF0, v49  }
0x82: {  	v3 =	vor.u32 v3, v4  }
0x83: {  	v4 =	vperm.xlane v3, v0;
	_ =	sdelay $0x1  }
0x84: {  	v3 =	vperm.xlane v3, v2;
	v4 =	vadd.s32 v1, v4;
	_ =	sdelay $0x1  }
0x85: {  	v3 =	vadd.s32 v1, v3;
	_ =	sdelay $0x1  }
0x86: {  	s1 =	simm.s32 $0xF400  }
0x87: {  	[tilespmem:s1], [sflag:$0x2] =	stream.indirect_vreg.gather [hbm4b:s2+s3], $0x80, v4, vm0, $0xb8;
	[tilespmem:$0x1E400] =	vst v63  }
0x88: {  	s1 =	simm.s32 $0xFC00  }
0x89: {  	[tilespmem:s1], [sflag:$0x2] =	stream.indirect_vreg.gather [hbm4b:s2+s3], $0x80, v3, vm0, $0xb8;
	[tilespmem:$0x1E400] =	vst v63  }
0x8a: {  	v3 =	vld [tilespmem:$0xA0];
	_ =	sdelay $0x4  }
0x8b: {  	v50 =	vshll.u32 v3, $0x1  }
0x8c: {  	v3 =	vand.u32 $0x7, v3;
	v4 =	vand.u32 $0xFFFFFFF0, v50  }
0x8d: {  	v3 =	vor.u32 v3, v4  }
0x8e: {  	v4 =	vperm.xlane v3, v0;
	_ =	sdelay $0x1  }
0x8f: {  	v3 =	vperm.xlane v3, v2;
	v4 =	vadd.s32 v1, v4;
	_ =	sdelay $0x1  }
0x90: {  	v3 =	vadd.s32 v1, v3;
	_ =	sdelay $0x1  }
0x91: {  	s1 =	simm.s32 $0x10400  }
0x92: {  	[tilespmem:s1], [sflag:$0x2] =	stream.indirect_vreg.gather [hbm4b:s2+s3], $0x80, v4, vm0, $0xb8;
	[tilespmem:$0x1E400] =	vst v63  }
0x93: {  	s1 =	simm.s32 $0x10C00  }
0x94: {  	[tilespmem:s1], [sflag:$0x2] =	stream.indirect_vreg.gather [hbm4b:s2+s3], $0x80, v3, vm0, $0xb8;
	[tilespmem:$0x1E400] =	vst v63  }
0x95: {  	v3 =	vld [tilespmem:$0xB0];
	_ =	sdelay $0x4  }
0x96: {  	v51 =	vshll.u32 v3, $0x1  }
0x97: {  	v3 =	vand.u32 $0x7, v3;
	v4 =	vand.u32 $0xFFFFFFF0, v51  }
0x98: {  	v3 =	vor.u32 v3, v4  }
0x99: {  	v4 =	vperm.xlane v3, v0;
	_ =	sdelay $0x1  }
0x9a: {  	v3 =	vperm.xlane v3, v2;
	v4 =	vadd.s32 v1, v4;
	_ =	sdelay $0x1  }
0x9b: {  	v3 =	vadd.s32 v1, v3;
	_ =	sdelay $0x1  }
0x9c: {  	s1 =	simm.s32 $0x11400  }
0x9d: {  	[tilespmem:s1], [sflag:$0x2] =	stream.indirect_vreg.gather [hbm4b:s2+s3], $0x80, v4, vm0, $0xb8;
	[tilespmem:$0x1E400] =	vst v63  }
0x9e: {  	s1 =	simm.s32 $0x11C00  }
0x9f: {  	[tilespmem:s1], [sflag:$0x2] =	stream.indirect_vreg.gather [hbm4b:s2+s3], $0x80, v3, vm0, $0xb8;
	[tilespmem:$0x1E400] =	vst v63  }
0xa0: {  	v3 =	vld [tilespmem:$0xC0];
	_ =	sdelay $0x4  }
0xa1: {  	v52 =	vshll.u32 v3, $0x1  }
0xa2: {  	v3 =	vand.u32 $0x7, v3;
	v4 =	vand.u32 $0xFFFFFFF0, v52  }
0xa3: {  	v3 =	vor.u32 v3, v4  }
0xa4: {  	v4 =	vperm.xlane v3, v0;
	_ =	sdelay $0x1  }
0xa5: {  	v3 =	vperm.xlane v3, v2;
	v4 =	vadd.s32 v1, v4;
	_ =	sdelay $0x1  }
0xa6: {  	v3 =	vadd.s32 v1, v3;
	_ =	sdelay $0x1  }
0xa7: {  	s1 =	simm.s32 $0x12400  }
0xa8: {  	[tilespmem:s1], [sflag:$0x2] =	stream.indirect_vreg.gather [hbm4b:s2+s3], $0x80, v4, vm0, $0xb8;
	[tilespmem:$0x1E400] =	vst v63  }
0xa9: {  	s1 =	simm.s32 $0x12C00  }
0xaa: {  	[tilespmem:s1], [sflag:$0x2] =	stream.indirect_vreg.gather [hbm4b:s2+s3], $0x80, v3, vm0, $0xb8;
	[tilespmem:$0x1E400] =	vst v63  }
0xab: {  	v3 =	vld [tilespmem:$0xD0];
	_ =	sdelay $0x4  }
0xac: {  	v53 =	vshll.u32 v3, $0x1  }
0xad: {  	v3 =	vand.u32 $0x7, v3;
	v4 =	vand.u32 $0xFFFFFFF0, v53  }
0xae: {  	v3 =	vor.u32 v3, v4  }
0xaf: {  	v4 =	vperm.xlane v3, v0;
	_ =	sdelay $0x1  }
0xb0: {  	v3 =	vperm.xlane v3, v2;
	v4 =	vadd.s32 v1, v4;
	_ =	sdelay $0x1  }
0xb1: {  	v3 =	vadd.s32 v1, v3;
	_ =	sdelay $0x1  }
0xb2: {  	s1 =	simm.s32 $0x13400  }
0xb3: {  	[tilespmem:s1], [sflag:$0x2] =	stream.indirect_vreg.gather [hbm4b:s2+s3], $0x80, v4, vm0, $0xb8;
	[tilespmem:$0x1E400] =	vst v63  }
0xb4: {  	s1 =	simm.s32 $0x13C00  }
0xb5: {  	[tilespmem:s1], [sflag:$0x2] =	stream.indirect_vreg.gather [hbm4b:s2+s3], $0x80, v3, vm0, $0xb8;
	[tilespmem:$0x1E400] =	vst v63  }
0xb6: {  	v3 =	vld [tilespmem:$0xE0];
	_ =	sdelay $0x4  }
0xb7: {  	v54 =	vshll.u32 v3, $0x1  }
0xb8: {  	v3 =	vand.u32 $0x7, v3;
	v4 =	vand.u32 $0xFFFFFFF0, v54  }
0xb9: {  	v3 =	vor.u32 v3, v4  }
0xba: {  	v4 =	vperm.xlane v3, v0;
	_ =	sdelay $0x1  }
0xbb: {  	v3 =	vperm.xlane v3, v2;
	v4 =	vadd.s32 v1, v4;
	_ =	sdelay $0x1  }
0xbc: {  	v3 =	vadd.s32 v1, v3;
	_ =	sdelay $0x1  }
0xbd: {  	s1 =	simm.s32 $0x14400  }
0xbe: {  	[tilespmem:s1], [sflag:$0x2] =	stream.indirect_vreg.gather [hbm4b:s2+s3], $0x80, v4, vm0, $0xb8;
	[tilespmem:$0x1E400] =	vst v63  }
0xbf: {  	s1 =	simm.s32 $0x14C00  }
0xc0: {  	[tilespmem:s1], [sflag:$0x2] =	stream.indirect_vreg.gather [hbm4b:s2+s3], $0x80, v3, vm0, $0xb8;
	[tilespmem:$0x1E400] =	vst v63  }
0xc1: {  	v3 =	vld [tilespmem:$0xF0];
	_ =	sdelay $0x4  }
0xc2: {  	v55 =	vshll.u32 v3, $0x1  }
0xc3: {  	v3 =	vand.u32 $0x7, v3;
	v4 =	vand.u32 $0xFFFFFFF0, v55  }
0xc4: {  	v3 =	vor.u32 v3, v4  }
0xc5: {  	v4 =	vperm.xlane v3, v0;
	_ =	sdelay $0x1  }
0xc6: {  	v3 =	vperm.xlane v3, v2;
	v4 =	vadd.s32 v1, v4;
	_ =	sdelay $0x1  }
0xc7: {  	v3 =	vadd.s32 v1, v3;
	_ =	sdelay $0x2  }
0xc8: {  	[tilespmem:s14], [sflag:$0x2] =	stream.indirect_vreg.gather [hbm4b:s2+s3], $0x80, v4, vm0, $0xb8;
	[tilespmem:$0x1E400] =	vst v63  }
0xc9: {  	_ = 	snop  }
0xca: {  	[tilespmem:s15], [sflag:$0x2] =	stream.indirect_vreg.gather [hbm4b:s2+s3], $0x80, v3, vm0, $0xb8;
	[tilespmem:$0x1E400] =	vst v63  }
0xcb: {  	v3 =	vld [tilespmem:$0x100];
	_ =	sdelay $0x4  }
0xcc: {  	v56 =	vshll.u32 v3, $0x1  }
0xcd: {  	v3 =	vand.u32 $0x7, v3;
	v4 =	vand.u32 $0xFFFFFFF0, v56  }
0xce: {  	v3 =	vor.u32 v3, v4  }
0xcf: {  	v4 =	vperm.xlane v3, v0;
	_ =	sdelay $0x1  }
0xd0: {  	v3 =	vperm.xlane v3, v2;
	v4 =	vadd.s32 v1, v4;
	_ =	sdelay $0x1  }
0xd1: {  	v3 =	vadd.s32 v1, v3;
	_ =	sdelay $0x2  }
0xd2: {  	[tilespmem:s16], [sflag:$0x3] =	stream.indirect_vreg.gather [hbm4b:s2+s3], $0x80, v4, vm0, $0xb8;
	[tilespmem:$0x1E400] =	vst v63  }
0xd3: {  	_ = 	snop  }
0xd4: {  	[tilespmem:s23], [sflag:$0x3] =	stream.indirect_vreg.gather [hbm4b:s2+s3], $0x80, v3, vm0, $0xb8;
	[tilespmem:$0x1E400] =	vst v63  }
0xd5: {  	v3 =	vld [tilespmem:$0x110];
	_ =	sdelay $0x4  }
0xd6: {  	v57 =	vshll.u32 v3, $0x1  }
0xd7: {  	v3 =	vand.u32 $0x7, v3;
	v4 =	vand.u32 $0xFFFFFFF0, v57  }
0xd8: {  	v3 =	vor.u32 v3, v4  }
0xd9: {  	v4 =	vperm.xlane v3, v0;
	_ =	sdelay $0x1  }
0xda: {  	v3 =	vperm.xlane v3, v2;
	v4 =	vadd.s32 v1, v4;
	_ =	sdelay $0x1  }
0xdb: {  	v3 =	vadd.s32 v1, v3;
	_ =	sdelay $0x2  }
0xdc: {  	[tilespmem:s20], [sflag:$0x3] =	stream.indirect_vreg.gather [hbm4b:s2+s3], $0x80, v4, vm0, $0xb8;
	[tilespmem:$0x1E400] =	vst v63  }
0xdd: {  	_ = 	snop  }
0xde: {  	[tilespmem:s0], [sflag:$0x3] =	stream.indirect_vreg.gather [hbm4b:s2+s3], $0x80, v3, vm0, $0xb8;
	[tilespmem:$0x1E400] =	vst v63  }
0xdf: {  	v3 =	vld [tilespmem:$0x120];
	_ =	sdelay $0x4  }
0xe0: {  	v58 =	vshll.u32 v3, $0x1  }
0xe1: {  	v3 =	vand.u32 $0x7, v3;
	v4 =	vand.u32 $0xFFFFFFF0, v58  }
0xe2: {  	v3 =	vor.u32 v3, v4  }
0xe3: {  	v4 =	vperm.xlane v3, v0;
	_ =	sdelay $0x1  }
0xe4: {  	v3 =	vperm.xlane v3, v2;
	v4 =	vadd.s32 v1, v4;
	_ =	sdelay $0x1  }
0xe5: {  	v3 =	vadd.s32 v1, v3;
	_ =	sdelay $0x2  }
0xe6: {  	[tilespmem:s24], [sflag:$0x3] =	stream.indirect_vreg.gather [hbm4b:s2+s3], $0x80, v4, vm0, $0xb8;
	[tilespmem:$0x1E400] =	vst v63  }
0xe7: {  	_ = 	snop  }
0xe8: {  	[tilespmem:s4], [sflag:$0x3] =	stream.indirect_vreg.gather [hbm4b:s2+s3], $0x80, v3, vm0, $0xb8;
	[tilespmem:$0x1E400] =	vst v63  }
0xe9: {  	v3 =	vld [tilespmem:$0x130];
	_ =	sdelay $0x4  }
0xea: {  	v59 =	vshll.u32 v3, $0x1  }
0xeb: {  	v3 =	vand.u32 $0x7, v3;
	v4 =	vand.u32 $0xFFFFFFF0, v59  }
0xec: {  	v3 =	vor.u32 v3, v4  }
0xed: {  	v4 =	vperm.xlane v3, v0;
	_ =	sdelay $0x1  }
0xee: {  	v3 =	vperm.xlane v3, v2;
	v4 =	vadd.s32 v1, v4;
	_ =	sdelay $0x1  }
0xef: {  	v3 =	vadd.s32 v1, v3;
	_ =	sdelay $0x2  }
0xf0: {  	[tilespmem:s5], [sflag:$0x3] =	stream.indirect_vreg.gather [hbm4b:s2+s3], $0x80, v4, vm0, $0xb8;
	[tilespmem:$0x1E400] =	vst v63  }
0xf1: {  	_ = 	snop  }
0xf2: {  	[tilespmem:s18], [sflag:$0x3] =	stream.indirect_vreg.gather [hbm4b:s2+s3], $0x80, v3, vm0, $0xb8;
	[tilespmem:$0x1E400] =	vst v63  }
0xf3: {  	v3 =	vld [tilespmem:$0x140];
	_ =	sdelay $0x4  }
0xf4: {  	v60 =	vshll.u32 v3, $0x1  }
0xf5: {  	v3 =	vand.u32 $0x7, v3;
	v4 =	vand.u32 $0xFFFFFFF0, v60  }
0xf6: {  	v3 =	vor.u32 v3, v4  }
0xf7: {  	v4 =	vperm.xlane v3, v0;
	_ =	sdelay $0x1  }
0xf8: {  	v3 =	vperm.xlane v3, v2;
	v4 =	vadd.s32 v1, v4;
	_ =	sdelay $0x1  }
0xf9: {  	v3 =	vadd.s32 v1, v3;
	_ =	sdelay $0x2  }
0xfa: {  	[tilespmem:s6], [sflag:$0x3] =	stream.indirect_vreg.gather [hbm4b:s2+s3], $0x80, v4, vm0, $0xb8;
	[tilespmem:$0x1E400] =	vst v63  }
0xfb: {  	_ = 	snop  }
0xfc: {  	[tilespmem:s25], [sflag:$0x3] =	stream.indirect_vreg.gather [hbm4b:s2+s3], $0x80, v3, vm0, $0xb8;
	[tilespmem:$0x1E400] =	vst v63  }
0xfd: {  	v3 =	vld [tilespmem:$0x150];
	_ =	sdelay $0x4  }
0xfe: {  	v61 =	vshll.u32 v3, $0x1  }
0xff: {  	v3 =	vand.u32 $0x7, v3;
	v4 =	vand.u32 $0xFFFFFFF0, v61  }
0x100: {  	v3 =	vor.u32 v3, v4  }
0x101: {  	v4 =	vperm.xlane v3, v0;
	_ =	sdelay $0x1  }
0x102: {  	v3 =	vperm.xlane v3, v2;
	v4 =	vadd.s32 v1, v4;
	_ =	sdelay $0x1  }
0x103: {  	v3 =	vadd.s32 v1, v3;
	_ =	sdelay $0x2  }
0x104: {  	[tilespmem:s7], [sflag:$0x3] =	stream.indirect_vreg.gather [hbm4b:s2+s3], $0x80, v4, vm0, $0xb8;
	[tilespmem:$0x1E400] =	vst v63  }
0x105: {  	_ = 	snop  }
0x106: {  	[tilespmem:s8], [sflag:$0x3] =	stream.indirect_vreg.gather [hbm4b:s2+s3], $0x80, v3, vm0, $0xb8;
	[tilespmem:$0x1E400] =	vst v63  }
0x107: {  	v3 =	vld [tilespmem:$0x160];
	_ =	sdelay $0x4  }
0x108: {  	v62 =	vshll.u32 v3, $0x1  }
0x109: {  	v3 =	vand.u32 $0x7, v3;
	v4 =	vand.u32 $0xFFFFFFF0, v62  }
0x10a: {  	v3 =	vor.u32 v3, v4  }
0x10b: {  	v4 =	vperm.xlane v3, v0;
	_ =	sdelay $0x1  }
0x10c: {  	v3 =	vperm.xlane v3, v2;
	v4 =	vadd.s32 v1, v4;
	_ =	sdelay $0x1  }
0x10d: {  	v3 =	vadd.s32 v1, v3;
	_ =	sdelay $0x2  }
0x10e: {  	[tilespmem:s9], [sflag:$0x3] =	stream.indirect_vreg.gather [hbm4b:s2+s3], $0x80, v4, vm0, $0xb8;
	[tilespmem:$0x1E400] =	vst v63  }
0x10f: {  	_ = 	snop  }
0x110: {  	[tilespmem:s10], [sflag:$0x3] =	stream.indirect_vreg.gather [hbm4b:s2+s3], $0x80, v3, vm0, $0xb8;
	[tilespmem:$0x1E400] =	vst v63  }
0x111: {  	v3 =	vld [tilespmem:$0x170];
	_ =	sdelay $0x4  }
0x112: {  	v63 =	vshll.u32 v3, $0x1  }
0x113: {  	v3 =	vand.u32 $0x7, v3;
	v4 =	vand.u32 $0xFFFFFFF0, v63  }
0x114: {  	v3 =	vor.u32 v3, v4  }
0x115: {  	v4 =	vperm.xlane v3, v0;
	_ =	sdelay $0x1  }
0x116: {  	v3 =	vperm.xlane v3, v2;
	v4 =	vadd.s32 v1, v4  }
0x117: {  	s30 =	simm.s32 $0x2F0  }
0x118: {  	s31 =	simm.s32 $0x0;
	s20 =	simm.s32 $0x17400;
	s0 =	simm.s32 $0x17C00;
	v3 =	vadd.s32 v1, v3  }
0x119: {  	s24 =	simm.s32 $0x18400;
	s4 =	simm.s32 $0x18C00;
	s5 =	simm.s32 $0x19400  }
0x11a: {  	s18 =	simm.s32 $0x19C00;
	s6 =	simm.s32 $0x1A400;
	s25 =	simm.s32 $0x1AC00  }
0x11b: {  	[tilespmem:s11], [sflag:$0x3] =	stream.indirect_vreg.gather [hbm4b:s2+s3], $0x80, v4, vm0, $0xb8;
	[tilespmem:$0x1E400] =	vst v63  }
0x11c: {  	s7 =	simm.s32 $0x1B400;
	s8 =	simm.s32 $0x1BC00;
	s9 =	simm.s32 $0x1C400  }
0x11d: {  	[tilespmem:s13], [sflag:$0x3] =	stream.indirect_vreg.gather [hbm4b:s2+s3], $0x80, v3, vm0, $0xb8;
	[tilespmem:$0x1E400] =	vst v63  }
0x11e: {  	s10 =	simm.s32 $0x1CC00;
	s11 =	simm.s32 $0x1D400;
	s13 =	simm.s32 $0x1DC00  }
.LBB2_2:
0x11f: {  	_ =	swait.ge [sflag:s21], $0x8000  }
0x120: {  	s23 =	rddreg [dreg:$0x4];
	[sflag:s21] =	ssyncset.done $0x0  }
0x121: {  	[sflag:s21] =	ssyncadd.s32 $0xFFFF8000;
	s23 =	sadd.s32 s31, s23  }
0x122: {  	[hbm4b:s23+s3] =	stream.linear.scatter [tilespmem:s12], [sflag:$0x4], $0x8000, $0x38;
	[tilespmem:$0x1E400] =	vst v63  }
0x123: {  	_ =	swait.ge [sflag:s26], $0x8000  }
0x124: {  	[sflag:s26] =	ssyncset.done $0x0  }
0x125: {  	s1 =	sadd.s32 $0x1000, s23;
	[sflag:s26] =	ssyncadd.s32 $0xFFFF8000  }
0x126: {  	[hbm4b:s1+s3] =	stream.linear.scatter [tilespmem:s29], [sflag:$0x5], $0x8000, $0x38;
	[tilespmem:$0x1E400] =	vst v63  }
0x127: {  	_ =	swait.ge [sflag:s19], $0x8000  }
0x128: {  	[sflag:s19] =	ssyncset.done $0x0  }
0x129: {  	s1 =	sadd.s32 $0x2000, s23;
	[sflag:s19] =	ssyncadd.s32 $0xFFFF8000  }
0x12a: {  	[hbm4b:s1+s3] =	stream.linear.scatter [tilespmem:s16], [sflag:$0x6], $0x8000, $0x38;
	[tilespmem:$0x1E400] =	vst v63  }
0x12b: {  	_ =	swait.ge [sflag:s28], $0x8000  }
0x12c: {  	[sflag:s28] =	ssyncset.done $0x0  }
0x12d: {  	[sflag:s28] =	ssyncadd.s32 $0xFFFF8000  }
0x12e: {  	v3 =	vld [tilespmem:s30+$0xFFFFFE90];
	_ =	sdelay $0x4  }
0x12f: {  	v4 =	vshll.u32 v3, $0x1  }
0x130: {  	v3 =	vand.u32 $0x7, v3;
	v4 =	vand.u32 $0xFFFFFFF0, v4  }
0x131: {  	v3 =	vor.u32 v3, v4  }
0x132: {  	v4 =	vperm.xlane v3, v0;
	_ =	sdelay $0x1  }
0x133: {  	v3 =	vperm.xlane v3, v2;
	v4 =	vadd.s32 v1, v4;
	_ =	sdelay $0x1  }
0x134: {  	v3 =	vadd.s32 v1, v3;
	_ =	sdelay $0x2  }
0x135: {  	[tilespmem:s12], [sflag:$0x1] =	stream.indirect_vreg.gather [hbm4b:s2+s3], $0x80, v4, vm0, $0xb8;
	[tilespmem:$0x1E400] =	vst v63  }
0x136: {  	s1 =	simm.s32 $0x6C00  }
0x137: {  	[tilespmem:s1], [sflag:$0x1] =	stream.indirect_vreg.gather [hbm4b:s2+s3], $0x80, v3, vm0, $0xb8;
	[tilespmem:$0x1E400] =	vst v63  }
0x138: {  	v3 =	vld [tilespmem:s30+$0xFFFFFEA0];
	_ =	sdelay $0x4  }
0x139: {  	v41 =	vshll.u32 v3, $0x1  }
0x13a: {  	v3 =	vand.u32 $0x7, v3;
	v4 =	vand.u32 $0xFFFFFFF0, v41  }
0x13b: {  	v3 =	vor.u32 v3, v4  }
0x13c: {  	v4 =	vperm.xlane v3, v0;
	_ =	sdelay $0x1  }
0x13d: {  	v3 =	vperm.xlane v3, v2;
	v4 =	vadd.s32 v1, v4;
	_ =	sdelay $0x1  }
0x13e: {  	v3 =	vadd.s32 v1, v3;
	_ =	sdelay $0x1  }
0x13f: {  	s1 =	simm.s32 $0x7400  }
0x140: {  	[tilespmem:s1], [sflag:$0x1] =	stream.indirect_vreg.gather [hbm4b:s2+s3], $0x80, v4, vm0, $0xb8;
	[tilespmem:$0x1E400] =	vst v63  }
0x141: {  	s1 =	simm.s32 $0x7C00  }
0x142: {  	[tilespmem:s1], [sflag:$0x1] =	stream.indirect_vreg.gather [hbm4b:s2+s3], $0x80, v3, vm0, $0xb8;
	[tilespmem:$0x1E400] =	vst v63  }
0x143: {  	v3 =	vld [tilespmem:s30+$0xFFFFFEB0];
	_ =	sdelay $0x4  }
0x144: {  	v42 =	vshll.u32 v3, $0x1  }
0x145: {  	v3 =	vand.u32 $0x7, v3;
	v4 =	vand.u32 $0xFFFFFFF0, v42  }
0x146: {  	v3 =	vor.u32 v3, v4  }
0x147: {  	v4 =	vperm.xlane v3, v0;
	_ =	sdelay $0x1  }
0x148: {  	v3 =	vperm.xlane v3, v2;
	v4 =	vadd.s32 v1, v4;
	_ =	sdelay $0x1  }
0x149: {  	v3 =	vadd.s32 v1, v3;
	_ =	sdelay $0x1  }
0x14a: {  	s1 =	simm.s32 $0x8400  }
0x14b: {  	[tilespmem:s1], [sflag:$0x1] =	stream.indirect_vreg.gather [hbm4b:s2+s3], $0x80, v4, vm0, $0xb8;
	[tilespmem:$0x1E400] =	vst v63  }
0x14c: {  	s1 =	simm.s32 $0x8C00  }
0x14d: {  	[tilespmem:s1], [sflag:$0x1] =	stream.indirect_vreg.gather [hbm4b:s2+s3], $0x80, v3, vm0, $0xb8;
	[tilespmem:$0x1E400] =	vst v63  }
0x14e: {  	v3 =	vld [tilespmem:s30+$0xFFFFFEC0];
	_ =	sdelay $0x4  }
0x14f: {  	v43 =	vshll.u32 v3, $0x1  }
0x150: {  	v3 =	vand.u32 $0x7, v3;
	v4 =	vand.u32 $0xFFFFFFF0, v43  }
0x151: {  	v3 =	vor.u32 v3, v4  }
0x152: {  	v4 =	vperm.xlane v3, v0;
	_ =	sdelay $0x1  }
0x153: {  	v3 =	vperm.xlane v3, v2;
	v4 =	vadd.s32 v1, v4;
	_ =	sdelay $0x1  }
0x154: {  	v3 =	vadd.s32 v1, v3;
	_ =	sdelay $0x1  }
0x155: {  	s1 =	simm.s32 $0x9400  }
0x156: {  	[tilespmem:s1], [sflag:$0x1] =	stream.indirect_vreg.gather [hbm4b:s2+s3], $0x80, v4, vm0, $0xb8;
	[tilespmem:$0x1E400] =	vst v63  }
0x157: {  	s1 =	simm.s32 $0x9C00  }
0x158: {  	[tilespmem:s1], [sflag:$0x1] =	stream.indirect_vreg.gather [hbm4b:s2+s3], $0x80, v3, vm0, $0xb8;
	[tilespmem:$0x1E400] =	vst v63  }
0x159: {  	v3 =	vld [tilespmem:s30+$0xFFFFFED0];
	_ =	sdelay $0x4  }
0x15a: {  	v44 =	vshll.u32 v3, $0x1  }
0x15b: {  	v3 =	vand.u32 $0x7, v3;
	v4 =	vand.u32 $0xFFFFFFF0, v44  }
0x15c: {  	v3 =	vor.u32 v3, v4  }
0x15d: {  	v4 =	vperm.xlane v3, v0;
	_ =	sdelay $0x1  }
0x15e: {  	v3 =	vperm.xlane v3, v2;
	v4 =	vadd.s32 v1, v4;
	_ =	sdelay $0x1  }
0x15f: {  	v3 =	vadd.s32 v1, v3;
	_ =	sdelay $0x1  }
0x160: {  	s1 =	simm.s32 $0xA400  }
0x161: {  	[tilespmem:s1], [sflag:$0x1] =	stream.indirect_vreg.gather [hbm4b:s2+s3], $0x80, v4, vm0, $0xb8;
	[tilespmem:$0x1E400] =	vst v63  }
0x162: {  	s1 =	simm.s32 $0xAC00  }
0x163: {  	[tilespmem:s1], [sflag:$0x1] =	stream.indirect_vreg.gather [hbm4b:s2+s3], $0x80, v3, vm0, $0xb8;
	[tilespmem:$0x1E400] =	vst v63  }
0x164: {  	v3 =	vld [tilespmem:s30+$0xFFFFFEE0];
	_ =	sdelay $0x4  }
0x165: {  	v45 =	vshll.u32 v3, $0x1  }
0x166: {  	v3 =	vand.u32 $0x7, v3;
	v4 =	vand.u32 $0xFFFFFFF0, v45  }
0x167: {  	v3 =	vor.u32 v3, v4  }
0x168: {  	v4 =	vperm.xlane v3, v0;
	_ =	sdelay $0x1  }
0x169: {  	v3 =	vperm.xlane v3, v2;
	v4 =	vadd.s32 v1, v4;
	_ =	sdelay $0x1  }
0x16a: {  	v3 =	vadd.s32 v1, v3;
	_ =	sdelay $0x1  }
0x16b: {  	s1 =	simm.s32 $0xB400  }
0x16c: {  	[tilespmem:s1], [sflag:$0x1] =	stream.indirect_vreg.gather [hbm4b:s2+s3], $0x80, v4, vm0, $0xb8;
	[tilespmem:$0x1E400] =	vst v63  }
0x16d: {  	s1 =	simm.s32 $0xBC00  }
0x16e: {  	[tilespmem:s1], [sflag:$0x1] =	stream.indirect_vreg.gather [hbm4b:s2+s3], $0x80, v3, vm0, $0xb8;
	[tilespmem:$0x1E400] =	vst v63  }
0x16f: {  	v3 =	vld [tilespmem:s30+$0xFFFFFEF0];
	_ =	sdelay $0x4  }
0x170: {  	v46 =	vshll.u32 v3, $0x1  }
0x171: {  	v3 =	vand.u32 $0x7, v3;
	v4 =	vand.u32 $0xFFFFFFF0, v46  }
0x172: {  	v3 =	vor.u32 v3, v4  }
0x173: {  	v4 =	vperm.xlane v3, v0;
	_ =	sdelay $0x1  }
0x174: {  	v3 =	vperm.xlane v3, v2;
	v4 =	vadd.s32 v1, v4;
	_ =	sdelay $0x1  }
0x175: {  	v3 =	vadd.s32 v1, v3;
	_ =	sdelay $0x1  }
0x176: {  	s1 =	simm.s32 $0xC400  }
0x177: {  	[tilespmem:s1], [sflag:$0x1] =	stream.indirect_vreg.gather [hbm4b:s2+s3], $0x80, v4, vm0, $0xb8;
	[tilespmem:$0x1E400] =	vst v63  }
0x178: {  	s1 =	simm.s32 $0xCC00  }
0x179: {  	[tilespmem:s1], [sflag:$0x1] =	stream.indirect_vreg.gather [hbm4b:s2+s3], $0x80, v3, vm0, $0xb8;
	[tilespmem:$0x1E400] =	vst v63  }
0x17a: {  	v3 =	vld [tilespmem:s30+$0xFFFFFF00];
	_ =	sdelay $0x4  }
0x17b: {  	v47 =	vshll.u32 v3, $0x1  }
0x17c: {  	v3 =	vand.u32 $0x7, v3;
	v4 =	vand.u32 $0xFFFFFFF0, v47  }
0x17d: {  	v3 =	vor.u32 v3, v4  }
0x17e: {  	v4 =	vperm.xlane v3, v0;
	_ =	sdelay $0x1  }
0x17f: {  	v3 =	vperm.xlane v3, v2;
	v4 =	vadd.s32 v1, v4;
	_ =	sdelay $0x1  }
0x180: {  	v3 =	vadd.s32 v1, v3;
	_ =	sdelay $0x1  }
0x181: {  	s1 =	simm.s32 $0xD400  }
0x182: {  	[tilespmem:s1], [sflag:$0x1] =	stream.indirect_vreg.gather [hbm4b:s2+s3], $0x80, v4, vm0, $0xb8;
	[tilespmem:$0x1E400] =	vst v63  }
0x183: {  	s1 =	simm.s32 $0xDC00  }
0x184: {  	[tilespmem:s1], [sflag:$0x1] =	stream.indirect_vreg.gather [hbm4b:s2+s3], $0x80, v3, vm0, $0xb8;
	[tilespmem:$0x1E400] =	vst v63  }
0x185: {  	_ =	swait.ge [sflag:s22], $0x8000  }
0x186: {  	[sflag:s22] =	ssyncset.done $0x0  }
0x187: {  	[sflag:s22] =	ssyncadd.s32 $0xFFFF8000  }
0x188: {  	v3 =	vld [tilespmem:s30+$0xFFFFFF10];
	_ =	sdelay $0x4  }
0x189: {  	v48 =	vshll.u32 v3, $0x1  }
0x18a: {  	v3 =	vand.u32 $0x7, v3;
	v4 =	vand.u32 $0xFFFFFFF0, v48  }
0x18b: {  	v3 =	vor.u32 v3, v4  }
0x18c: {  	v4 =	vperm.xlane v3, v0;
	_ =	sdelay $0x1  }
0x18d: {  	v3 =	vperm.xlane v3, v2;
	v4 =	vadd.s32 v1, v4;
	_ =	sdelay $0x1  }
0x18e: {  	v3 =	vadd.s32 v1, v3;
	_ =	sdelay $0x2  }
0x18f: {  	[tilespmem:s29], [sflag:$0x2] =	stream.indirect_vreg.gather [hbm4b:s2+s3], $0x80, v4, vm0, $0xb8;
	[tilespmem:$0x1E400] =	vst v63  }
0x190: {  	s1 =	simm.s32 $0xEC00  }
0x191: {  	[tilespmem:s1], [sflag:$0x2] =	stream.indirect_vreg.gather [hbm4b:s2+s3], $0x80, v3, vm0, $0xb8;
	[tilespmem:$0x1E400] =	vst v63  }
0x192: {  	v3 =	vld [tilespmem:s30+$0xFFFFFF20];
	_ =	sdelay $0x4  }
0x193: {  	v49 =	vshll.u32 v3, $0x1  }
0x194: {  	v3 =	vand.u32 $0x7, v3;
	v4 =	vand.u32 $0xFFFFFFF0, v49  }
0x195: {  	v3 =	vor.u32 v3, v4  }
0x196: {  	v4 =	vperm.xlane v3, v0;
	_ =	sdelay $0x1  }
0x197: {  	v3 =	vperm.xlane v3, v2;
	v4 =	vadd.s32 v1, v4;
	_ =	sdelay $0x1  }
0x198: {  	v3 =	vadd.s32 v1, v3;
	_ =	sdelay $0x1  }
0x199: {  	s1 =	simm.s32 $0xF400  }
0x19a: {  	[tilespmem:s1], [sflag:$0x2] =	stream.indirect_vreg.gather [hbm4b:s2+s3], $0x80, v4, vm0, $0xb8;
	[tilespmem:$0x1E400] =	vst v63  }
0x19b: {  	s1 =	simm.s32 $0xFC00  }
0x19c: {  	[tilespmem:s1], [sflag:$0x2] =	stream.indirect_vreg.gather [hbm4b:s2+s3], $0x80, v3, vm0, $0xb8;
	[tilespmem:$0x1E400] =	vst v63  }
0x19d: {  	v3 =	vld [tilespmem:s30+$0xFFFFFF30];
	_ =	sdelay $0x4  }
0x19e: {  	v50 =	vshll.u32 v3, $0x1  }
0x19f: {  	v3 =	vand.u32 $0x7, v3;
	v4 =	vand.u32 $0xFFFFFFF0, v50  }
0x1a0: {  	v3 =	vor.u32 v3, v4  }
0x1a1: {  	v4 =	vperm.xlane v3, v0;
	_ =	sdelay $0x1  }
0x1a2: {  	v3 =	vperm.xlane v3, v2;
	v4 =	vadd.s32 v1, v4;
	_ =	sdelay $0x1  }
0x1a3: {  	v3 =	vadd.s32 v1, v3;
	_ =	sdelay $0x1  }
0x1a4: {  	s1 =	simm.s32 $0x10400  }
0x1a5: {  	[tilespmem:s1], [sflag:$0x2] =	stream.indirect_vreg.gather [hbm4b:s2+s3], $0x80, v4, vm0, $0xb8;
	[tilespmem:$0x1E400] =	vst v63  }
0x1a6: {  	s1 =	simm.s32 $0x10C00  }
0x1a7: {  	[tilespmem:s1], [sflag:$0x2] =	stream.indirect_vreg.gather [hbm4b:s2+s3], $0x80, v3, vm0, $0xb8;
	[tilespmem:$0x1E400] =	vst v63  }
0x1a8: {  	v3 =	vld [tilespmem:s30+$0xFFFFFF40];
	_ =	sdelay $0x4  }
0x1a9: {  	v51 =	vshll.u32 v3, $0x1  }
0x1aa: {  	v3 =	vand.u32 $0x7, v3;
	v4 =	vand.u32 $0xFFFFFFF0, v51  }
0x1ab: {  	v3 =	vor.u32 v3, v4  }
0x1ac: {  	v4 =	vperm.xlane v3, v0;
	_ =	sdelay $0x1  }
0x1ad: {  	v3 =	vperm.xlane v3, v2;
	v4 =	vadd.s32 v1, v4;
	_ =	sdelay $0x1  }
0x1ae: {  	v3 =	vadd.s32 v1, v3;
	_ =	sdelay $0x1  }
0x1af: {  	s1 =	simm.s32 $0x11400  }
0x1b0: {  	[tilespmem:s1], [sflag:$0x2] =	stream.indirect_vreg.gather [hbm4b:s2+s3], $0x80, v4, vm0, $0xb8;
	[tilespmem:$0x1E400] =	vst v63  }
0x1b1: {  	s1 =	simm.s32 $0x11C00  }
0x1b2: {  	[tilespmem:s1], [sflag:$0x2] =	stream.indirect_vreg.gather [hbm4b:s2+s3], $0x80, v3, vm0, $0xb8;
	[tilespmem:$0x1E400] =	vst v63  }
0x1b3: {  	v3 =	vld [tilespmem:s30+$0xFFFFFF50];
	_ =	sdelay $0x4  }
0x1b4: {  	v52 =	vshll.u32 v3, $0x1  }
0x1b5: {  	v3 =	vand.u32 $0x7, v3;
	v4 =	vand.u32 $0xFFFFFFF0, v52  }
0x1b6: {  	v3 =	vor.u32 v3, v4  }
0x1b7: {  	v4 =	vperm.xlane v3, v0;
	_ =	sdelay $0x1  }
0x1b8: {  	v3 =	vperm.xlane v3, v2;
	v4 =	vadd.s32 v1, v4;
	_ =	sdelay $0x1  }
0x1b9: {  	v3 =	vadd.s32 v1, v3;
	_ =	sdelay $0x1  }
0x1ba: {  	s1 =	simm.s32 $0x12400  }
0x1bb: {  	[tilespmem:s1], [sflag:$0x2] =	stream.indirect_vreg.gather [hbm4b:s2+s3], $0x80, v4, vm0, $0xb8;
	[tilespmem:$0x1E400] =	vst v63  }
0x1bc: {  	s1 =	simm.s32 $0x12C00  }
0x1bd: {  	[tilespmem:s1], [sflag:$0x2] =	stream.indirect_vreg.gather [hbm4b:s2+s3], $0x80, v3, vm0, $0xb8;
	[tilespmem:$0x1E400] =	vst v63  }
0x1be: {  	v3 =	vld [tilespmem:s30+$0xFFFFFF60];
	_ =	sdelay $0x4  }
0x1bf: {  	v53 =	vshll.u32 v3, $0x1  }
0x1c0: {  	v3 =	vand.u32 $0x7, v3;
	v4 =	vand.u32 $0xFFFFFFF0, v53  }
0x1c1: {  	v3 =	vor.u32 v3, v4  }
0x1c2: {  	v4 =	vperm.xlane v3, v0;
	_ =	sdelay $0x1  }
0x1c3: {  	v3 =	vperm.xlane v3, v2;
	v4 =	vadd.s32 v1, v4;
	_ =	sdelay $0x1  }
0x1c4: {  	v3 =	vadd.s32 v1, v3;
	_ =	sdelay $0x1  }
0x1c5: {  	s1 =	simm.s32 $0x13400  }
0x1c6: {  	[tilespmem:s1], [sflag:$0x2] =	stream.indirect_vreg.gather [hbm4b:s2+s3], $0x80, v4, vm0, $0xb8;
	[tilespmem:$0x1E400] =	vst v63  }
0x1c7: {  	s1 =	simm.s32 $0x13C00  }
0x1c8: {  	[tilespmem:s1], [sflag:$0x2] =	stream.indirect_vreg.gather [hbm4b:s2+s3], $0x80, v3, vm0, $0xb8;
	[tilespmem:$0x1E400] =	vst v63  }
0x1c9: {  	v3 =	vld [tilespmem:s30+$0xFFFFFF70];
	_ =	sdelay $0x4  }
0x1ca: {  	v54 =	vshll.u32 v3, $0x1  }
0x1cb: {  	v3 =	vand.u32 $0x7, v3;
	v4 =	vand.u32 $0xFFFFFFF0, v54  }
0x1cc: {  	v3 =	vor.u32 v3, v4  }
0x1cd: {  	v4 =	vperm.xlane v3, v0;
	_ =	sdelay $0x1  }
0x1ce: {  	v3 =	vperm.xlane v3, v2;
	v4 =	vadd.s32 v1, v4;
	_ =	sdelay $0x1  }
0x1cf: {  	v3 =	vadd.s32 v1, v3;
	_ =	sdelay $0x1  }
0x1d0: {  	s1 =	simm.s32 $0x14400  }
0x1d1: {  	[tilespmem:s1], [sflag:$0x2] =	stream.indirect_vreg.gather [hbm4b:s2+s3], $0x80, v4, vm0, $0xb8;
	[tilespmem:$0x1E400] =	vst v63  }
0x1d2: {  	s1 =	simm.s32 $0x14C00  }
0x1d3: {  	[tilespmem:s1], [sflag:$0x2] =	stream.indirect_vreg.gather [hbm4b:s2+s3], $0x80, v3, vm0, $0xb8;
	[tilespmem:$0x1E400] =	vst v63  }
0x1d4: {  	v3 =	vld [tilespmem:s30+$0xFFFFFF80];
	_ =	sdelay $0x4  }
0x1d5: {  	v55 =	vshll.u32 v3, $0x1  }
0x1d6: {  	v3 =	vand.u32 $0x7, v3;
	v4 =	vand.u32 $0xFFFFFFF0, v55  }
0x1d7: {  	v3 =	vor.u32 v3, v4  }
0x1d8: {  	v4 =	vperm.xlane v3, v0;
	_ =	sdelay $0x1  }
0x1d9: {  	v3 =	vperm.xlane v3, v2;
	v4 =	vadd.s32 v1, v4;
	_ =	sdelay $0x1  }
0x1da: {  	v3 =	vadd.s32 v1, v3;
	_ =	sdelay $0x2  }
0x1db: {  	[tilespmem:s14], [sflag:$0x2] =	stream.indirect_vreg.gather [hbm4b:s2+s3], $0x80, v4, vm0, $0xb8;
	[tilespmem:$0x1E400] =	vst v63  }
0x1dc: {  	_ = 	snop  }
0x1dd: {  	[tilespmem:s15], [sflag:$0x2] =	stream.indirect_vreg.gather [hbm4b:s2+s3], $0x80, v3, vm0, $0xb8;
	[tilespmem:$0x1E400] =	vst v63  }
0x1de: {  	_ =	swait.ge [sflag:s17], $0x8000  }
0x1df: {  	[sflag:s17] =	ssyncset.done $0x0  }
0x1e0: {  	[sflag:s17] =	ssyncadd.s32 $0xFFFF8000  }
0x1e1: {  	v3 =	vld [tilespmem:s30+$0xFFFFFF90];
	_ =	sdelay $0x4  }
0x1e2: {  	v56 =	vshll.u32 v3, $0x1  }
0x1e3: {  	v3 =	vand.u32 $0x7, v3;
	v4 =	vand.u32 $0xFFFFFFF0, v56  }
0x1e4: {  	v3 =	vor.u32 v3, v4  }
0x1e5: {  	v4 =	vperm.xlane v3, v0;
	_ =	sdelay $0x1  }
0x1e6: {  	v3 =	vperm.xlane v3, v2;
	v4 =	vadd.s32 v1, v4;
	_ =	sdelay $0x1  }
0x1e7: {  	v3 =	vadd.s32 v1, v3;
	_ =	sdelay $0x2  }
0x1e8: {  	[tilespmem:s16], [sflag:$0x3] =	stream.indirect_vreg.gather [hbm4b:s2+s3], $0x80, v4, vm0, $0xb8;
	[tilespmem:$0x1E400] =	vst v63  }
0x1e9: {  	s23 =	simm.s32 $0x16C00  }
0x1ea: {  	[tilespmem:s23], [sflag:$0x3] =	stream.indirect_vreg.gather [hbm4b:s2+s3], $0x80, v3, vm0, $0xb8;
	[tilespmem:$0x1E400] =	vst v63  }
0x1eb: {  	v3 =	vld [tilespmem:s30+$0xFFFFFFA0];
	_ =	sdelay $0x4  }
0x1ec: {  	v57 =	vshll.u32 v3, $0x1  }
0x1ed: {  	v3 =	vand.u32 $0x7, v3;
	v4 =	vand.u32 $0xFFFFFFF0, v57  }
0x1ee: {  	v3 =	vor.u32 v3, v4  }
0x1ef: {  	v4 =	vperm.xlane v3, v0;
	_ =	sdelay $0x1  }
0x1f0: {  	v3 =	vperm.xlane v3, v2;
	v4 =	vadd.s32 v1, v4;
	_ =	sdelay $0x1  }
0x1f1: {  	v3 =	vadd.s32 v1, v3;
	_ =	sdelay $0x2  }
0x1f2: {  	[tilespmem:s20], [sflag:$0x3] =	stream.indirect_vreg.gather [hbm4b:s2+s3], $0x80, v4, vm0, $0xb8;
	[tilespmem:$0x1E400] =	vst v63  }
0x1f3: {  	_ = 	snop  }
0x1f4: {  	[tilespmem:s0], [sflag:$0x3] =	stream.indirect_vreg.gather [hbm4b:s2+s3], $0x80, v3, vm0, $0xb8;
	[tilespmem:$0x1E400] =	vst v63  }
0x1f5: {  	v3 =	vld [tilespmem:s30+$0xFFFFFFB0];
	_ =	sdelay $0x4  }
0x1f6: {  	v58 =	vshll.u32 v3, $0x1  }
0x1f7: {  	v3 =	vand.u32 $0x7, v3;
	v4 =	vand.u32 $0xFFFFFFF0, v58  }
0x1f8: {  	v3 =	vor.u32 v3, v4  }
0x1f9: {  	v4 =	vperm.xlane v3, v0;
	_ =	sdelay $0x1  }
0x1fa: {  	v3 =	vperm.xlane v3, v2;
	v4 =	vadd.s32 v1, v4;
	_ =	sdelay $0x1  }
0x1fb: {  	v3 =	vadd.s32 v1, v3;
	_ =	sdelay $0x2  }
0x1fc: {  	[tilespmem:s24], [sflag:$0x3] =	stream.indirect_vreg.gather [hbm4b:s2+s3], $0x80, v4, vm0, $0xb8;
	[tilespmem:$0x1E400] =	vst v63  }
0x1fd: {  	_ = 	snop  }
0x1fe: {  	[tilespmem:s4], [sflag:$0x3] =	stream.indirect_vreg.gather [hbm4b:s2+s3], $0x80, v3, vm0, $0xb8;
	[tilespmem:$0x1E400] =	vst v63  }
0x1ff: {  	v3 =	vld [tilespmem:s30+$0xFFFFFFC0];
	_ =	sdelay $0x4  }
0x200: {  	v59 =	vshll.u32 v3, $0x1  }
0x201: {  	v3 =	vand.u32 $0x7, v3;
	v4 =	vand.u32 $0xFFFFFFF0, v59  }
0x202: {  	v3 =	vor.u32 v3, v4  }
0x203: {  	v4 =	vperm.xlane v3, v0;
	_ =	sdelay $0x1  }
0x204: {  	v3 =	vperm.xlane v3, v2;
	v4 =	vadd.s32 v1, v4;
	_ =	sdelay $0x1  }
0x205: {  	v3 =	vadd.s32 v1, v3;
	_ =	sdelay $0x2  }
0x206: {  	[tilespmem:s5], [sflag:$0x3] =	stream.indirect_vreg.gather [hbm4b:s2+s3], $0x80, v4, vm0, $0xb8;
	[tilespmem:$0x1E400] =	vst v63  }
0x207: {  	_ = 	snop  }
0x208: {  	[tilespmem:s18], [sflag:$0x3] =	stream.indirect_vreg.gather [hbm4b:s2+s3], $0x80, v3, vm0, $0xb8;
	[tilespmem:$0x1E400] =	vst v63  }
0x209: {  	v3 =	vld [tilespmem:s30+$0xFFFFFFD0];
	_ =	sdelay $0x4  }
0x20a: {  	v60 =	vshll.u32 v3, $0x1  }
0x20b: {  	v3 =	vand.u32 $0x7, v3;
	v4 =	vand.u32 $0xFFFFFFF0, v60  }
0x20c: {  	v3 =	vor.u32 v3, v4  }
0x20d: {  	v4 =	vperm.xlane v3, v0;
	_ =	sdelay $0x1  }
0x20e: {  	v3 =	vperm.xlane v3, v2;
	v4 =	vadd.s32 v1, v4;
	_ =	sdelay $0x1  }
0x20f: {  	v3 =	vadd.s32 v1, v3;
	_ =	sdelay $0x2  }
0x210: {  	[tilespmem:s6], [sflag:$0x3] =	stream.indirect_vreg.gather [hbm4b:s2+s3], $0x80, v4, vm0, $0xb8;
	[tilespmem:$0x1E400] =	vst v63  }
0x211: {  	_ = 	snop  }
0x212: {  	[tilespmem:s25], [sflag:$0x3] =	stream.indirect_vreg.gather [hbm4b:s2+s3], $0x80, v3, vm0, $0xb8;
	[tilespmem:$0x1E400] =	vst v63  }
0x213: {  	v3 =	vld [tilespmem:s30+$0xFFFFFFE0];
	_ =	sdelay $0x4  }
0x214: {  	v61 =	vshll.u32 v3, $0x1  }
0x215: {  	v3 =	vand.u32 $0x7, v3;
	v4 =	vand.u32 $0xFFFFFFF0, v61  }
0x216: {  	v3 =	vor.u32 v3, v4  }
0x217: {  	v4 =	vperm.xlane v3, v0;
	_ =	sdelay $0x1  }
0x218: {  	v3 =	vperm.xlane v3, v2;
	v4 =	vadd.s32 v1, v4;
	_ =	sdelay $0x1  }
0x219: {  	v3 =	vadd.s32 v1, v3;
	_ =	sdelay $0x2  }
0x21a: {  	[tilespmem:s7], [sflag:$0x3] =	stream.indirect_vreg.gather [hbm4b:s2+s3], $0x80, v4, vm0, $0xb8;
	[tilespmem:$0x1E400] =	vst v63  }
0x21b: {  	_ = 	snop  }
0x21c: {  	[tilespmem:s8], [sflag:$0x3] =	stream.indirect_vreg.gather [hbm4b:s2+s3], $0x80, v3, vm0, $0xb8;
	[tilespmem:$0x1E400] =	vst v63  }
0x21d: {  	v3 =	vld [tilespmem:s30+$0xFFFFFFF0];
	_ =	sdelay $0x4  }
0x21e: {  	v62 =	vshll.u32 v3, $0x1  }
0x21f: {  	v3 =	vand.u32 $0x7, v3;
	v4 =	vand.u32 $0xFFFFFFF0, v62  }
0x220: {  	v3 =	vor.u32 v3, v4  }
0x221: {  	v4 =	vperm.xlane v3, v0;
	_ =	sdelay $0x1  }
0x222: {  	v3 =	vperm.xlane v3, v2;
	v4 =	vadd.s32 v1, v4;
	_ =	sdelay $0x1  }
0x223: {  	v3 =	vadd.s32 v1, v3;
	_ =	sdelay $0x2  }
0x224: {  	[tilespmem:s9], [sflag:$0x3] =	stream.indirect_vreg.gather [hbm4b:s2+s3], $0x80, v4, vm0, $0xb8;
	[tilespmem:$0x1E400] =	vst v63  }
0x225: {  	_ = 	snop  }
0x226: {  	[tilespmem:s10], [sflag:$0x3] =	stream.indirect_vreg.gather [hbm4b:s2+s3], $0x80, v3, vm0, $0xb8;
	[tilespmem:$0x1E400] =	vst v63  }
0x227: {  	v3 =	vld [tilespmem:s30+$0x0];
	_ =	sdelay $0x4  }
0x228: {  	v63 =	vshll.u32 v3, $0x1  }
0x229: {  	v3 =	vand.u32 $0x7, v3;
	v4 =	vand.u32 $0xFFFFFFF0, v63  }
0x22a: {  	v3 =	vor.u32 v3, v4  }
0x22b: {  	v4 =	vperm.xlane v3, v0;
	_ =	sdelay $0x1  }
0x22c: {  	v3 =	vperm.xlane v3, v2;
	v4 =	vadd.s32 v1, v4;
	_ =	sdelay $0x1  }
0x22d: {  	p0 =	sne.s32 s31, $0xC0000;
	v3 =	vadd.s32 v1, v3  }
.Ltmp0:
0x22e: {  	_ = 	snop;
	(pc) =	sbr.rel @p0 .LBB2_2-.Ltmp0, $4  }
0x22f: {  	_ = 	snop  }
0x230: {  	[tilespmem:s11], [sflag:$0x3] =	stream.indirect_vreg.gather [hbm4b:s2+s3], $0x80, v4, vm0, $0xb8;
	[tilespmem:$0x1E400] =	vst v63  }
0x231: {  	s31 =	sadd.s32 $0x3000, s31;
	s30 =	sadd.s32 $0x180, s30  }
0x232: {  	[tilespmem:s13], [sflag:$0x3] =	stream.indirect_vreg.gather [hbm4b:s2+s3], $0x80, v3, vm0, $0xb8;
	[tilespmem:$0x1E400] =	vst v63  }
0x233: {  	_ =	swait.ge [sflag:s21], $0x8000  }
0x234: {  	[sflag:s21] =	ssyncset.done $0x0  }
0x235: {  	s1 =	rddreg [dreg:$0x6];
	[sflag:s21] =	ssyncadd.s32 $0xFFFF8000  }
0x236: {  	[hbm4b:s1+s3] =	stream.linear.scatter [tilespmem:s12], [sflag:$0x4], $0x8000, $0x38;
	[tilespmem:$0x1E400] =	vst v63  }
0x237: {  	_ =	swait.ge [sflag:s28], $0x8000  }
0x238: {  	[sflag:s28] =	ssyncset.done $0x0  }
0x239: {  	[sflag:s28] =	ssyncadd.s32 $0xFFFF8000  }
0x23a: {  	v3 =	vld [tilespmem:$0x6300];
	_ =	sdelay $0x4  }
0x23b: {  	v4 =	vshll.u32 v3, $0x1  }
0x23c: {  	v3 =	vand.u32 $0x7, v3;
	v4 =	vand.u32 $0xFFFFFFF0, v4  }
0x23d: {  	v3 =	vor.u32 v3, v4  }
0x23e: {  	v4 =	vperm.xlane v3, v0;
	_ =	sdelay $0x1  }
0x23f: {  	v3 =	vperm.xlane v3, v2;
	v4 =	vadd.s32 v1, v4;
	_ =	sdelay $0x1  }
0x240: {  	v3 =	vadd.s32 v1, v3;
	_ =	sdelay $0x2  }
0x241: {  	[tilespmem:s12], [sflag:$0x1] =	stream.indirect_vreg.gather [hbm4b:s2+s3], $0x80, v4, vm0, $0xb8;
	[tilespmem:$0x1E400] =	vst v63  }
0x242: {  	s25 =	simm.s32 $0x6C00  }
0x243: {  	[tilespmem:s25], [sflag:$0x1] =	stream.indirect_vreg.gather [hbm4b:s2+s3], $0x80, v3, vm0, $0xb8;
	[tilespmem:$0x1E400] =	vst v63  }
0x244: {  	v3 =	vld [tilespmem:$0x6310];
	_ =	sdelay $0x4  }
0x245: {  	v49 =	vshll.u32 v3, $0x1  }
0x246: {  	v3 =	vand.u32 $0x7, v3;
	v4 =	vand.u32 $0xFFFFFFF0, v49  }
0x247: {  	v3 =	vor.u32 v3, v4  }
0x248: {  	v4 =	vperm.xlane v3, v0;
	_ =	sdelay $0x1  }
0x249: {  	v3 =	vperm.xlane v3, v2;
	v4 =	vadd.s32 v1, v4;
	_ =	sdelay $0x1  }
0x24a: {  	v3 =	vadd.s32 v1, v3;
	_ =	sdelay $0x1  }
0x24b: {  	s31 =	simm.s32 $0x7400  }
0x24c: {  	[tilespmem:s31], [sflag:$0x1] =	stream.indirect_vreg.gather [hbm4b:s2+s3], $0x80, v4, vm0, $0xb8;
	[tilespmem:$0x1E400] =	vst v63  }
0x24d: {  	s0 =	simm.s32 $0x7C00  }
0x24e: {  	[tilespmem:s0], [sflag:$0x1] =	stream.indirect_vreg.gather [hbm4b:s2+s3], $0x80, v3, vm0, $0xb8;
	[tilespmem:$0x1E400] =	vst v63  }
0x24f: {  	v3 =	vld [tilespmem:$0x6320];
	_ =	sdelay $0x4  }
0x250: {  	v50 =	vshll.u32 v3, $0x1  }
0x251: {  	v3 =	vand.u32 $0x7, v3;
	v4 =	vand.u32 $0xFFFFFFF0, v50  }
0x252: {  	v3 =	vor.u32 v3, v4  }
0x253: {  	v4 =	vperm.xlane v3, v0;
	_ =	sdelay $0x1  }
0x254: {  	v3 =	vperm.xlane v3, v2;
	v4 =	vadd.s32 v1, v4;
	_ =	sdelay $0x1  }
0x255: {  	v3 =	vadd.s32 v1, v3;
	_ =	sdelay $0x1  }
0x256: {  	s4 =	simm.s32 $0x8400  }
0x257: {  	[tilespmem:s4], [sflag:$0x1] =	stream.indirect_vreg.gather [hbm4b:s2+s3], $0x80, v4, vm0, $0xb8;
	[tilespmem:$0x1E400] =	vst v63  }
0x258: {  	s5 =	simm.s32 $0x8C00  }
0x259: {  	[tilespmem:s5], [sflag:$0x1] =	stream.indirect_vreg.gather [hbm4b:s2+s3], $0x80, v3, vm0, $0xb8;
	[tilespmem:$0x1E400] =	vst v63  }
0x25a: {  	v3 =	vld [tilespmem:$0x6330];
	_ =	sdelay $0x4  }
0x25b: {  	v51 =	vshll.u32 v3, $0x1  }
0x25c: {  	v3 =	vand.u32 $0x7, v3;
	v4 =	vand.u32 $0xFFFFFFF0, v51  }
0x25d: {  	v3 =	vor.u32 v3, v4  }
0x25e: {  	v4 =	vperm.xlane v3, v0;
	_ =	sdelay $0x1  }
0x25f: {  	v3 =	vperm.xlane v3, v2;
	v4 =	vadd.s32 v1, v4;
	_ =	sdelay $0x1  }
0x260: {  	v3 =	vadd.s32 v1, v3;
	_ =	sdelay $0x1  }
0x261: {  	s6 =	simm.s32 $0x9400  }
0x262: {  	[tilespmem:s6], [sflag:$0x1] =	stream.indirect_vreg.gather [hbm4b:s2+s3], $0x80, v4, vm0, $0xb8;
	[tilespmem:$0x1E400] =	vst v63  }
0x263: {  	s7 =	simm.s32 $0x9C00  }
0x264: {  	[tilespmem:s7], [sflag:$0x1] =	stream.indirect_vreg.gather [hbm4b:s2+s3], $0x80, v3, vm0, $0xb8;
	[tilespmem:$0x1E400] =	vst v63  }
0x265: {  	v3 =	vld [tilespmem:$0x6340];
	_ =	sdelay $0x4  }
0x266: {  	v52 =	vshll.u32 v3, $0x1  }
0x267: {  	v3 =	vand.u32 $0x7, v3;
	v4 =	vand.u32 $0xFFFFFFF0, v52  }
0x268: {  	v3 =	vor.u32 v3, v4  }
0x269: {  	v4 =	vperm.xlane v3, v0;
	_ =	sdelay $0x1  }
0x26a: {  	v3 =	vperm.xlane v3, v2;
	v4 =	vadd.s32 v1, v4;
	_ =	sdelay $0x1  }
0x26b: {  	v3 =	vadd.s32 v1, v3;
	_ =	sdelay $0x1  }
0x26c: {  	s8 =	simm.s32 $0xA400  }
0x26d: {  	[tilespmem:s8], [sflag:$0x1] =	stream.indirect_vreg.gather [hbm4b:s2+s3], $0x80, v4, vm0, $0xb8;
	[tilespmem:$0x1E400] =	vst v63  }
0x26e: {  	s9 =	simm.s32 $0xAC00  }
0x26f: {  	[tilespmem:s9], [sflag:$0x1] =	stream.indirect_vreg.gather [hbm4b:s2+s3], $0x80, v3, vm0, $0xb8;
	[tilespmem:$0x1E400] =	vst v63  }
0x270: {  	v3 =	vld [tilespmem:$0x6350];
	_ =	sdelay $0x4  }
0x271: {  	v53 =	vshll.u32 v3, $0x1  }
0x272: {  	v3 =	vand.u32 $0x7, v3;
	v4 =	vand.u32 $0xFFFFFFF0, v53  }
0x273: {  	v3 =	vor.u32 v3, v4  }
0x274: {  	v4 =	vperm.xlane v3, v0;
	_ =	sdelay $0x1  }
0x275: {  	v3 =	vperm.xlane v3, v2;
	v4 =	vadd.s32 v1, v4;
	_ =	sdelay $0x1  }
0x276: {  	v3 =	vadd.s32 v1, v3;
	_ =	sdelay $0x1  }
0x277: {  	s10 =	simm.s32 $0xB400  }
0x278: {  	[tilespmem:s10], [sflag:$0x1] =	stream.indirect_vreg.gather [hbm4b:s2+s3], $0x80, v4, vm0, $0xb8;
	[tilespmem:$0x1E400] =	vst v63  }
0x279: {  	s11 =	simm.s32 $0xBC00  }
0x27a: {  	[tilespmem:s11], [sflag:$0x1] =	stream.indirect_vreg.gather [hbm4b:s2+s3], $0x80, v3, vm0, $0xb8;
	[tilespmem:$0x1E400] =	vst v63  }
0x27b: {  	v3 =	vld [tilespmem:$0x6360];
	_ =	sdelay $0x4  }
0x27c: {  	v54 =	vshll.u32 v3, $0x1  }
0x27d: {  	v3 =	vand.u32 $0x7, v3;
	v4 =	vand.u32 $0xFFFFFFF0, v54  }
0x27e: {  	v3 =	vor.u32 v3, v4  }
0x27f: {  	v4 =	vperm.xlane v3, v0;
	_ =	sdelay $0x1  }
0x280: {  	v3 =	vperm.xlane v3, v2;
	v4 =	vadd.s32 v1, v4;
	_ =	sdelay $0x1  }
0x281: {  	v3 =	vadd.s32 v1, v3;
	_ =	sdelay $0x1  }
0x282: {  	s13 =	simm.s32 $0xC400  }
0x283: {  	[tilespmem:s13], [sflag:$0x1] =	stream.indirect_vreg.gather [hbm4b:s2+s3], $0x80, v4, vm0, $0xb8;
	[tilespmem:$0x1E400] =	vst v63  }
0x284: {  	s18 =	simm.s32 $0xCC00  }
0x285: {  	[tilespmem:s18], [sflag:$0x1] =	stream.indirect_vreg.gather [hbm4b:s2+s3], $0x80, v3, vm0, $0xb8;
	[tilespmem:$0x1E400] =	vst v63  }
0x286: {  	v3 =	vld [tilespmem:$0x6370];
	_ =	sdelay $0x4  }
0x287: {  	v55 =	vshll.u32 v3, $0x1  }
0x288: {  	v3 =	vand.u32 $0x7, v3;
	v4 =	vand.u32 $0xFFFFFFF0, v55  }
0x289: {  	v3 =	vor.u32 v3, v4  }
0x28a: {  	v4 =	vperm.xlane v3, v0;
	_ =	sdelay $0x1  }
0x28b: {  	v3 =	vperm.xlane v3, v2;
	v4 =	vadd.s32 v1, v4;
	_ =	sdelay $0x1  }
0x28c: {  	v3 =	vadd.s32 v1, v3;
	_ =	sdelay $0x1  }
0x28d: {  	s20 =	simm.s32 $0xD400  }
0x28e: {  	[tilespmem:s20], [sflag:$0x1] =	stream.indirect_vreg.gather [hbm4b:s2+s3], $0x80, v4, vm0, $0xb8;
	[tilespmem:$0x1E400] =	vst v63  }
0x28f: {  	s24 =	simm.s32 $0xDC00  }
0x290: {  	[tilespmem:s24], [sflag:$0x1] =	stream.indirect_vreg.gather [hbm4b:s2+s3], $0x80, v3, vm0, $0xb8;
	[tilespmem:$0x1E400] =	vst v63  }
0x291: {  	_ =	swait.ge [sflag:s26], $0x8000  }
0x292: {  	[sflag:s26] =	ssyncset.done $0x0  }
0x293: {  	s25 =	rddreg [dreg:$0x7];
	[sflag:s26] =	ssyncadd.s32 $0xFFFF8000  }
0x294: {  	[hbm4b:s25+s3] =	stream.linear.scatter [tilespmem:s29], [sflag:$0x5], $0x8000, $0x38;
	[tilespmem:$0x1E400] =	vst v63  }
0x295: {  	_ =	swait.ge [sflag:s22], $0x8000  }
0x296: {  	[sflag:s22] =	ssyncset.done $0x0  }
0x297: {  	[sflag:s22] =	ssyncadd.s32 $0xFFFF8000  }
0x298: {  	v3 =	vld [tilespmem:$0x6380];
	_ =	sdelay $0x4  }
0x299: {  	v56 =	vshll.u32 v3, $0x1  }
0x29a: {  	v3 =	vand.u32 $0x7, v3;
	v4 =	vand.u32 $0xFFFFFFF0, v56  }
0x29b: {  	v3 =	vor.u32 v3, v4  }
0x29c: {  	v4 =	vperm.xlane v3, v0;
	_ =	sdelay $0x1  }
0x29d: {  	v3 =	vperm.xlane v3, v2;
	v4 =	vadd.s32 v1, v4;
	_ =	sdelay $0x1  }
0x29e: {  	v3 =	vadd.s32 v1, v3;
	_ =	sdelay $0x2  }
0x29f: {  	[tilespmem:s29], [sflag:$0x2] =	stream.indirect_vreg.gather [hbm4b:s2+s3], $0x80, v4, vm0, $0xb8;
	[tilespmem:$0x1E400] =	vst v63  }
0x2a0: {  	s31 =	simm.s32 $0xEC00  }
0x2a1: {  	[tilespmem:s31], [sflag:$0x2] =	stream.indirect_vreg.gather [hbm4b:s2+s3], $0x80, v3, vm0, $0xb8;
	[tilespmem:$0x1E400] =	vst v63  }
0x2a2: {  	v3 =	vld [tilespmem:$0x6390];
	_ =	sdelay $0x4  }
0x2a3: {  	v57 =	vshll.u32 v3, $0x1  }
0x2a4: {  	v3 =	vand.u32 $0x7, v3;
	v4 =	vand.u32 $0xFFFFFFF0, v57  }
0x2a5: {  	v3 =	vor.u32 v3, v4  }
0x2a6: {  	v4 =	vperm.xlane v3, v0;
	_ =	sdelay $0x1  }
0x2a7: {  	v3 =	vperm.xlane v3, v2;
	v4 =	vadd.s32 v1, v4;
	_ =	sdelay $0x1  }
0x2a8: {  	v3 =	vadd.s32 v1, v3;
	_ =	sdelay $0x1  }
0x2a9: {  	s0 =	simm.s32 $0xF400  }
0x2aa: {  	[tilespmem:s0], [sflag:$0x2] =	stream.indirect_vreg.gather [hbm4b:s2+s3], $0x80, v4, vm0, $0xb8;
	[tilespmem:$0x1E400] =	vst v63  }
0x2ab: {  	s4 =	simm.s32 $0xFC00  }
0x2ac: {  	[tilespmem:s4], [sflag:$0x2] =	stream.indirect_vreg.gather [hbm4b:s2+s3], $0x80, v3, vm0, $0xb8;
	[tilespmem:$0x1E400] =	vst v63  }
0x2ad: {  	v3 =	vld [tilespmem:$0x63A0];
	_ =	sdelay $0x4  }
0x2ae: {  	v58 =	vshll.u32 v3, $0x1  }
0x2af: {  	v3 =	vand.u32 $0x7, v3;
	v4 =	vand.u32 $0xFFFFFFF0, v58  }
0x2b0: {  	v3 =	vor.u32 v3, v4  }
0x2b1: {  	v4 =	vperm.xlane v3, v0;
	_ =	sdelay $0x1  }
0x2b2: {  	v3 =	vperm.xlane v3, v2;
	v4 =	vadd.s32 v1, v4;
	_ =	sdelay $0x1  }
0x2b3: {  	v3 =	vadd.s32 v1, v3;
	_ =	sdelay $0x1  }
0x2b4: {  	s0 =	simm.s32 $0x10400  }
0x2b5: {  	[tilespmem:s0], [sflag:$0x2] =	stream.indirect_vreg.gather [hbm4b:s2+s3], $0x80, v4, vm0, $0xb8;
	[tilespmem:$0x1E400] =	vst v63  }
0x2b6: {  	s5 =	simm.s32 $0x10C00  }
0x2b7: {  	[tilespmem:s5], [sflag:$0x2] =	stream.indirect_vreg.gather [hbm4b:s2+s3], $0x80, v3, vm0, $0xb8;
	[tilespmem:$0x1E400] =	vst v63  }
0x2b8: {  	v3 =	vld [tilespmem:$0x63B0];
	_ =	sdelay $0x4  }
0x2b9: {  	v59 =	vshll.u32 v3, $0x1  }
0x2ba: {  	v3 =	vand.u32 $0x7, v3;
	v4 =	vand.u32 $0xFFFFFFF0, v59  }
0x2bb: {  	v3 =	vor.u32 v3, v4  }
0x2bc: {  	v4 =	vperm.xlane v3, v0;
	_ =	sdelay $0x1  }
0x2bd: {  	v3 =	vperm.xlane v3, v2;
	v4 =	vadd.s32 v1, v4;
	_ =	sdelay $0x1  }
0x2be: {  	v3 =	vadd.s32 v1, v3;
	_ =	sdelay $0x1  }
0x2bf: {  	s6 =	simm.s32 $0x11400  }
0x2c0: {  	[tilespmem:s6], [sflag:$0x2] =	stream.indirect_vreg.gather [hbm4b:s2+s3], $0x80, v4, vm0, $0xb8;
	[tilespmem:$0x1E400] =	vst v63  }
0x2c1: {  	s7 =	simm.s32 $0x11C00  }
0x2c2: {  	[tilespmem:s7], [sflag:$0x2] =	stream.indirect_vreg.gather [hbm4b:s2+s3], $0x80, v3, vm0, $0xb8;
	[tilespmem:$0x1E400] =	vst v63  }
0x2c3: {  	v3 =	vld [tilespmem:$0x63C0];
	_ =	sdelay $0x4  }
0x2c4: {  	v60 =	vshll.u32 v3, $0x1  }
0x2c5: {  	v3 =	vand.u32 $0x7, v3;
	v4 =	vand.u32 $0xFFFFFFF0, v60  }
0x2c6: {  	v3 =	vor.u32 v3, v4  }
0x2c7: {  	v4 =	vperm.xlane v3, v0;
	_ =	sdelay $0x1  }
0x2c8: {  	v3 =	vperm.xlane v3, v2;
	v4 =	vadd.s32 v1, v4;
	_ =	sdelay $0x1  }
0x2c9: {  	v3 =	vadd.s32 v1, v3;
	_ =	sdelay $0x1  }
0x2ca: {  	s8 =	simm.s32 $0x12400  }
0x2cb: {  	[tilespmem:s8], [sflag:$0x2] =	stream.indirect_vreg.gather [hbm4b:s2+s3], $0x80, v4, vm0, $0xb8;
	[tilespmem:$0x1E400] =	vst v63  }
0x2cc: {  	s9 =	simm.s32 $0x12C00  }
0x2cd: {  	[tilespmem:s9], [sflag:$0x2] =	stream.indirect_vreg.gather [hbm4b:s2+s3], $0x80, v3, vm0, $0xb8;
	[tilespmem:$0x1E400] =	vst v63  }
0x2ce: {  	v3 =	vld [tilespmem:$0x63D0];
	_ =	sdelay $0x4  }
0x2cf: {  	v61 =	vshll.u32 v3, $0x1  }
0x2d0: {  	v3 =	vand.u32 $0x7, v3;
	v4 =	vand.u32 $0xFFFFFFF0, v61  }
0x2d1: {  	v3 =	vor.u32 v3, v4  }
0x2d2: {  	v4 =	vperm.xlane v3, v0;
	_ =	sdelay $0x1  }
0x2d3: {  	v3 =	vperm.xlane v3, v2;
	v4 =	vadd.s32 v1, v4;
	_ =	sdelay $0x1  }
0x2d4: {  	v3 =	vadd.s32 v1, v3;
	_ =	sdelay $0x1  }
0x2d5: {  	s10 =	simm.s32 $0x13400  }
0x2d6: {  	[tilespmem:s10], [sflag:$0x2] =	stream.indirect_vreg.gather [hbm4b:s2+s3], $0x80, v4, vm0, $0xb8;
	[tilespmem:$0x1E400] =	vst v63  }
0x2d7: {  	s11 =	simm.s32 $0x13C00  }
0x2d8: {  	[tilespmem:s11], [sflag:$0x2] =	stream.indirect_vreg.gather [hbm4b:s2+s3], $0x80, v3, vm0, $0xb8;
	[tilespmem:$0x1E400] =	vst v63  }
0x2d9: {  	v3 =	vld [tilespmem:$0x63E0];
	_ =	sdelay $0x4  }
0x2da: {  	v62 =	vshll.u32 v3, $0x1  }
0x2db: {  	v3 =	vand.u32 $0x7, v3;
	v4 =	vand.u32 $0xFFFFFFF0, v62  }
0x2dc: {  	v3 =	vor.u32 v3, v4  }
0x2dd: {  	v4 =	vperm.xlane v3, v0;
	_ =	sdelay $0x1  }
0x2de: {  	v3 =	vperm.xlane v3, v2;
	v4 =	vadd.s32 v1, v4;
	_ =	sdelay $0x1  }
0x2df: {  	v3 =	vadd.s32 v1, v3;
	_ =	sdelay $0x1  }
0x2e0: {  	s13 =	simm.s32 $0x14400  }
0x2e1: {  	[tilespmem:s13], [sflag:$0x2] =	stream.indirect_vreg.gather [hbm4b:s2+s3], $0x80, v4, vm0, $0xb8;
	[tilespmem:$0x1E400] =	vst v63  }
0x2e2: {  	s18 =	simm.s32 $0x14C00  }
0x2e3: {  	[tilespmem:s18], [sflag:$0x2] =	stream.indirect_vreg.gather [hbm4b:s2+s3], $0x80, v3, vm0, $0xb8;
	[tilespmem:$0x1E400] =	vst v63  }
0x2e4: {  	v3 =	vld [tilespmem:$0x63F0];
	_ =	sdelay $0x4  }
0x2e5: {  	v63 =	vshll.u32 v3, $0x1  }
0x2e6: {  	v3 =	vand.u32 $0x7, v3;
	v4 =	vand.u32 $0xFFFFFFF0, v63  }
0x2e7: {  	v3 =	vor.u32 v3, v4  }
0x2e8: {  	v4 =	vperm.xlane v3, v0;
	_ =	sdelay $0x1  }
0x2e9: {  	v3 =	vperm.xlane v3, v2;
	v4 =	vadd.s32 v1, v4;
	_ =	sdelay $0x1  }
0x2ea: {  	v3 =	vadd.s32 v1, v3;
	_ =	sdelay $0x2  }
0x2eb: {  	[tilespmem:s14], [sflag:$0x2] =	stream.indirect_vreg.gather [hbm4b:s2+s3], $0x80, v4, vm0, $0xb8;
	[tilespmem:$0x1E400] =	vst v63  }
0x2ec: {  	_ = 	snop  }
0x2ed: {  	[tilespmem:s15], [sflag:$0x2] =	stream.indirect_vreg.gather [hbm4b:s2+s3], $0x80, v3, vm0, $0xb8;
	[tilespmem:$0x1E400] =	vst v63  }
0x2ee: {  	_ =	swait.ge [sflag:s19], $0x8000  }
0x2ef: {  	[sflag:s19] =	ssyncset.done $0x0  }
0x2f0: {  	s20 =	rddreg [dreg:$0x8];
	[sflag:s19] =	ssyncadd.s32 $0xFFFF8000  }
0x2f1: {  	[hbm4b:s20+s3] =	stream.linear.scatter [tilespmem:s16], [sflag:$0x6], $0x8000, $0x38;
	[tilespmem:$0x1E400] =	vst v63  }
0x2f2: {  	_ =	swait.ge [sflag:s21], $0x8000  }
0x2f3: {  	[sflag:s21] =	ssyncset.done $0x0  }
0x2f4: {  	s24 =	rddreg [dreg:$0x9];
	[sflag:s21] =	ssyncadd.s32 $0xFFFF8000  }
0x2f5: {  	[hbm4b:s24+s3] =	stream.linear.scatter [tilespmem:s12], [sflag:$0x4], $0x8000, $0x38;
	[tilespmem:$0x1E400] =	vst v63  }
0x2f6: {  	_ =	swait.ge [sflag:s26], $0x8000  }
0x2f7: {  	[sflag:s26] =	ssyncset.done $0x0  }
0x2f8: {  	s25 =	rddreg [dreg:$0xa];
	[sflag:s26] =	ssyncadd.s32 $0xFFFF8000  }
0x2f9: {  	[hbm4b:s25+s3] =	stream.linear.scatter [tilespmem:s29], [sflag:$0x5], $0x8000, $0x38;
	[tilespmem:$0x1E400] =	vst v63  }
0x2fa: {  	_ =	swait.ge [sflag:s17], $0x8000  }
0x2fb: {  	[sflag:s17] =	ssyncset.done $0x0  }
0x2fc: {  	[sflag:s17] =	ssyncadd.s32 $0xFFFF8000  }
0x2fd: {  	_ =	swait.ge [sflag:s28], $0x8000  }
0x2fe: {  	[sflag:s28] =	ssyncset.done $0x0  }
0x2ff: {  	[sflag:s28] =	ssyncadd.s32 $0xFFFF8000  }
0x300: {  	_ =	swait.ge [sflag:s22], $0x8000  }
0x301: {  	s30 =	rddreg [dreg:$0xc]  }
0x302: {  	s31 =	rddreg [dreg:$0xb];
	s30 =	sadd.s32 $0x1, s30  }
0x303: {  	s4 =	simm.s32 $0x18C00;
	s0 =	simm.s32 $0x17C00;
	p0 =	sne.s32 s30, s31  }
.Ltmp1:
0x304: {  	s5 =	simm.s32 $0x19400;
	s6 =	simm.s32 $0x1A400;
	(pc) =	sbr.rel @p0 .LBB2_1-.Ltmp1, $4  }
0x305: {  	s7 =	simm.s32 $0x1B400;
	s8 =	simm.s32 $0x1BC00;
	s9 =	simm.s32 $0x1C400  }
0x306: {  	s10 =	simm.s32 $0x1CC00;
	s11 =	simm.s32 $0x1D400;
	s13 =	simm.s32 $0x1DC00  }
0x307: {  	s18 =	simm.s32 $0x19C00;
	s20 =	simm.s32 $0x17400;
	[sflag:s22] =	ssyncset.done $0x0  }
0x308: {  	s24 =	simm.s32 $0x18400;
	s25 =	simm.s32 $0x1AC00;
	[sflag:s22] =	ssyncadd.s32 $0xFFFF8000  }
0x309: {  	_ =	sfence.sel $0x180000  }
0x30a: {  	[bflag:$0x0] =	sbarrier.arrive $0xFFFF  }
0x30b: {  	_ =	strace $0x90000047  }
0x30c: {  	s0 =	stileid.u32;
	[bflag:$0x2] =	sbarrier.arrive $0xFFFF  }
0x30d: {  	p0 =	sne.s32 s0, $0x0;
	s0 =	rddreg [dreg:$0x3]  }
0x30e: {  	s0 =	sadd.s32 @!p0 $0x100000, s0  }
0x30f: {  	[sflag:s0] =	ssyncadd.tile.s32 @!p0 $0x1;
	_ =	shalt  }
.Lfunc_end2:
_tile_overlayer_lowered:
.L_overlay_start_2:
0x310: {  	(tag) =	ssettag $0x2  }
0x311: {  	s0 =	rddreg [dreg:$0x0];
	s2 =	stileid.u32  }
0x312: {  	s1 =	rddreg [dreg:$0x1];
	p0 =	sne.s32 s2, $0x0  }
0x313: {  	s3 =	rddreg [dreg:$0x2];
	[bflag:$0x3] =	sbarrier.arrive $0xFFFF;
	s2 =	simm.s32 @!p0 $0x1C07  }
0x314: {  	[timem:s3], [sflag:s2] =	dma.local @!p0 [hbm:s0], s1  }
0x315: {  	s0 =	simm.s32 @!p0 $0x7  }
0x316: {  	_ =	swait.ge @!p0 [sflag:s0], s1  }
0x317: {  	s1 =	ssub.s32 @!p0 $0x0, s1;
	[sflag:s0] =	ssyncset.done @!p0 $0x0  }
0x318: {  	[sflag:s0] =	ssyncadd.s32 @!p0 s1  }
0x319: {  	[bflag:$0x3] =	sbarrier.arrive $0xFFFF  }
0x31a: {  	_ =	shalt  }

</sc_bundles>
